<compile_context>
chip_gen: v7x
topology: tpu7x:2x2x1
jax: 0.10.2.dev20260603
libtpu: 0.0.44.dev20260713+nightly
codegen_flags: <defaults>
</compile_context>

<pallas_src>
import functools

import jax
import jax.numpy as jnp
from jax import lax
from jax.experimental import pallas as pl
from jax.experimental.pallas import tpu as pltpu
from jax.experimental.pallas import tpu_sc as plsc

NC = 2
NS = 16
NW = NC * NS


def _make_segsum(n: int, e: int, chunk: int, q: int):
    assert e % NW == 0
    epw = e // NW
    assert epw % chunk == 0 and chunk % 8 == 0 and q % 8 == 0 and q < chunk
    nchunks = epw // chunk

    mesh = plsc.VectorSubcoreMesh(core_axis_name="c", subcore_axis_name="s")

    @functools.partial(
        pl.kernel,
        mesh=mesh,
        out_type=jax.ShapeDtypeStruct((NC, n), jnp.float32),
        scratch_types=[
            pltpu.VMEM((chunk,), jnp.int32),
            pltpu.VMEM((chunk,), jnp.int32),
            pltpu.VMEM((chunk,), jnp.int32),
            pltpu.VMEM((chunk,), jnp.float32),
            pltpu.VMEM((chunk,), jnp.float32),
            pltpu.VMEM_SHARED((n,), jnp.float32),
            pltpu.VMEM_SHARED((n,), jnp.float32),
            pltpu.SemaphoreType.DMA,
            pltpu.SemaphoreType.DMA,
            pltpu.SemaphoreType.DMA,
        ],
    )
    def segsum(pp_hbm, zeros_hbm, edge_hbm, out_hbm,
               idx_s, idx_d0, idx_d1, vals0, vals1,
               pp_sh, acc_sh, sem_ld, sem_g, sem_sc):
        c = lax.axis_index("c")
        s = lax.axis_index("s")
        idx_d = (idx_d0, idx_d1)
        vals = (vals0, vals1)

        base = (c * NS + s) * epw

        def start_loads(i, b):
            off = base + i * chunk
            return (
                pltpu.async_copy(edge_hbm.at[pl.ds(off, chunk)], idx_s,
                                 sem_ld),
                pltpu.async_copy(edge_hbm.at[pl.ds(e + off, chunk)], idx_d[b],
                                 sem_ld),
            )

        loads = start_loads(0, 0)

        @pl.when(s == 0)
        def _stage():
            pltpu.sync_copy(pp_hbm, pp_sh)
            pltpu.sync_copy(zeros_hbm, acc_sh)

        plsc.subcore_barrier()

        scatter = None
        for i in range(nchunks):
            b = i % 2
            nb = (i + 1) % 2
            for ld in loads:
                ld.wait()
            gh = pltpu.async_copy(pp_hbm.at[idx_s.at[pl.ds(0, q)]],
                                  vals[b].at[pl.ds(0, q)], sem_g)
            pltpu.sync_copy(pp_sh.at[idx_s.at[pl.ds(q, chunk - q)]],
                            vals[b].at[pl.ds(q, chunk - q)])
            gh.wait()
            if scatter is not None:
                scatter.wait()
            if i + 1 < nchunks:
                loads = start_loads(i + 1, nb)
            scatter = pltpu.async_copy(vals[b], acc_sh.at[idx_d[b]],
                                       sem_sc, add=True)
        scatter.wait()

        plsc.subcore_barrier()

        @pl.when(s == 0)
        def _writeback():
            pltpu.sync_copy(acc_sh, out_hbm.at[c])

    return segsum


def _apply_body(p_ref, s_ref, o_ref):
    x = p_ref[0] + p_ref[1] - 1.0
    o_ref[...] = x * x * s_ref[...]


def kernel(pred_prob, special_cost, edge_index):
    n = pred_prob.shape[0]
    e = edge_index.shape[1]
    pp = pred_prob.reshape(n)
    if edge_index.dtype != jnp.int32:
        edge_index = edge_index.astype(jnp.int32)
    zeros = jnp.zeros((n,), jnp.float32)

    segsum = _make_segsum(n, e, chunk=20000, q=5504)
    partial = segsum(pp, zeros, edge_index.reshape(2 * e))

    return pl.pallas_call(
        _apply_body,
        out_shape=jax.ShapeDtypeStruct((n,), jnp.float32),
    )(partial, special_cost)

# --- scband reference (transcript-rebuilt; emitter-appended) ---
"""Pipeline reference for scband-output-layer-48670569398563 (READ-ONLY COPY).

The authoritative reference and input builder live on the scoring server;
editing this copy changes nothing except your own understanding.
"""

import jax, jax.numpy as jnp
import numpy as np

N_NODES = 100000
N_EDGES = 6400000

def setup_inputs(seed: int = 0) -> dict:
    key = jax.random.key(seed)
    k1, k2, k3, k4 = jax.random.split(key, 4)
    pred_prob = jax.random.uniform(k1, (N_NODES, 1), dtype=jnp.float32)
    special_cost = jax.random.uniform(k2, (N_NODES,), dtype=jnp.float32)
    src = jax.random.randint(k3, (N_EDGES,), 0, N_NODES, dtype=jnp.int64)
    dst = jax.random.randint(k4, (N_EDGES,), 0, N_NODES, dtype=jnp.int64)
    edge_index = jnp.stack([src, dst], axis=0)
    return {"pred_prob": pred_prob, "special_cost": special_cost, "edge_index": edge_index}

def reference(pred_prob, special_cost, edge_index):
    # DGL update_all translation:
    # message_func: msg = edges.src['pred_prob'].squeeze()
    # reduce_func:  loss_for_sumOneConst = sum of incoming msgs per dst node
    # apply_func:   h = (loss_for_sumOneConst - 1)^2 * special_cost
    src = edge_index[0]
    dst = edge_index[1]
    n_nodes = pred_prob.shape[0]
    pp = jnp.squeeze(pred_prob, axis=-1)  # [N]
    msg = jnp.take(pp, src, axis=0)       # gather: [E]
    summed = jax.ops.segment_sum(msg, dst, num_segments=n_nodes)  # scatter-add: [N]
    h = summed - 1.0
    h = jnp.power(h, 2)
    h = h * special_cost
    return h

if __name__ == "__main__":
    import jax
    _d = setup_inputs()
    print(jax.jit(kernel)(*tuple(_d.values())))

</pallas_src>

<mosaic_0001>
#map = affine_map<(d0, d1) -> (0)>
#map1 = affine_map<(d0, d1) -> (0, 0)>
module attributes {stable_mosaic.version = 14 : i64} {
  func.func @segsum(%arg0: i32, %arg1: i32, %arg2: memref<100000xf32, #tpu.memory_space<hbm>>, %arg3: memref<100000xf32, #tpu.memory_space<hbm>>, %arg4: memref<12800000xi32, #tpu.memory_space<hbm>>, %arg5: memref<2x100000xf32, #tpu.memory_space<hbm>>, %arg6: memref<20000xi32, #tpu.memory_space<vmem>>, %arg7: memref<20000xi32, #tpu.memory_space<vmem>>, %arg8: memref<20000xi32, #tpu.memory_space<vmem>>, %arg9: memref<20000xf32, #tpu.memory_space<vmem>>, %arg10: memref<20000xf32, #tpu.memory_space<vmem>>, %arg11: memref<100000xf32, #tpu.memory_space<vmem_shared>>, %arg12: memref<100000xf32, #tpu.memory_space<vmem_shared>>, %arg13: memref<!tpu.dma_semaphore, #tpu.memory_space<semaphore_mem>>, %arg14: memref<!tpu.dma_semaphore, #tpu.memory_space<semaphore_mem>>, %arg15: memref<!tpu.dma_semaphore, #tpu.memory_space<semaphore_mem>>) attributes {dimension_semantics = [#tpu.dimension_semantics<core_parallel>, #tpu.dimension_semantics<subcore_parallel>], iteration_bounds = array<i64: 2, 16>, scalar_prefetch = 0 : i64, scratch_operands = 10 : i64, tpu.core_type = #tpu.core_type<sc_vector_subcore>, window_params = [{transform_indices = #map}, {transform_indices = #map}, {transform_indices = #map}, {transform_indices = #map1}]} {
    %mul3A = arith.constant 16 : i32
    %mul3A_0 = arith.muli %arg0, %mul3A : i32
    %add3A = arith.addi %mul3A_0, %arg1 : i32
    %mul3A_1 = arith.constant 200000 : i32
    %mul3A_2 = arith.muli %add3A, %mul3A_1 : i32
    %add3A_3 = arith.constant 0 : i32
    %add3A_4 = arith.addi %mul3A_2, %add3A_3 : i32
    %dma_start3A = tpu.memref_slice %arg4[%add3A_4] : memref<12800000xi32, #tpu.memory_space<hbm>> -> memref<20000xi32, #tpu.memory_space<hbm>>
    %dma_start3A_5 = tpu.memref_slice %arg4[%add3A_4] : memref<12800000xi32, #tpu.memory_space<hbm>> -> memref<20000xi32, #tpu.memory_space<hbm>>
    tpu.enqueue_dma source(%dma_start3A_5 : memref<20000xi32, #tpu.memory_space<hbm>>) target(%arg6 : memref<20000xi32, #tpu.memory_space<vmem>>) target_semaphore(%arg13 : memref<!tpu.dma_semaphore, #tpu.memory_space<semaphore_mem>>)
    %add3A_6 = arith.constant 6400000 : i32
    %add3A_7 = arith.addi %add3A_6, %add3A_4 : i32
    %dma_start3A_8 = tpu.memref_slice %arg4[%add3A_7] : memref<12800000xi32, #tpu.memory_space<hbm>> -> memref<20000xi32, #tpu.memory_space<hbm>>
    %dma_start3A_9 = tpu.memref_slice %arg4[%add3A_7] : memref<12800000xi32, #tpu.memory_space<hbm>> -> memref<20000xi32, #tpu.memory_space<hbm>>
    tpu.enqueue_dma source(%dma_start3A_9 : memref<20000xi32, #tpu.memory_space<hbm>>) target(%arg7 : memref<20000xi32, #tpu.memory_space<vmem>>) target_semaphore(%arg13 : memref<!tpu.dma_semaphore, #tpu.memory_space<semaphore_mem>>)
    %eq3A = arith.constant 0 : i32
    %eq3A_10 = arith.cmpi eq, %arg1, %eq3A : i32
    %convert_element_type3A = arith.extui %eq3A_10 : i1 to i32
    %cond3A = arith.constant 0 : i32
    %cond3A_11 = arith.cmpi ne, %convert_element_type3A, %cond3A : i32
    scf.if %cond3A_11 {
      "tpu.region"() ({
        %run_scoped3A = tpu.sem_alloc : memref<!tpu.dma_semaphore, #tpu.memory_space<semaphore_mem>>
        tpu.enqueue_dma source(%arg2 : memref<100000xf32, #tpu.memory_space<hbm>>) target(%arg11 : memref<100000xf32, #tpu.memory_space<vmem_shared>>) target_semaphore(%run_scoped3A : memref<!tpu.dma_semaphore, #tpu.memory_space<semaphore_mem>>)
        tpu.wait_dma2 semaphore(%run_scoped3A : memref<!tpu.dma_semaphore, #tpu.memory_space<semaphore_mem>>) src(%arg2 : memref<100000xf32, #tpu.memory_space<hbm>>) dst(%arg11 : memref<100000xf32, #tpu.memory_space<vmem_shared>>)
        tpu.yield
      }) : () -> ()
      "tpu.region"() ({
        %run_scoped3A = tpu.sem_alloc : memref<!tpu.dma_semaphore, #tpu.memory_space<semaphore_mem>>
        tpu.enqueue_dma source(%arg3 : memref<100000xf32, #tpu.memory_space<hbm>>) target(%arg12 : memref<100000xf32, #tpu.memory_space<vmem_shared>>) target_semaphore(%run_scoped3A : memref<!tpu.dma_semaphore, #tpu.memory_space<semaphore_mem>>)
        tpu.wait_dma2 semaphore(%run_scoped3A : memref<!tpu.dma_semaphore, #tpu.memory_space<semaphore_mem>>) src(%arg3 : memref<100000xf32, #tpu.memory_space<hbm>>) dst(%arg12 : memref<100000xf32, #tpu.memory_space<vmem_shared>>)
        tpu.yield
      }) : () -> ()
    } else {
    }
    %barrier3A = arith.constant 0 : index
    tpu.barrier barrier_id(%barrier3A)
    %dma_wait3A = tpu.memref_slice %arg4[%add3A_4] : memref<12800000xi32, #tpu.memory_space<hbm>> -> memref<20000xi32, #tpu.memory_space<hbm>>
    %dma_wait3A_12 = tpu.memref_slice %arg4[%add3A_4] : memref<12800000xi32, #tpu.memory_space<hbm>> -> memref<20000xi32, #tpu.memory_space<hbm>>
    tpu.wait_dma2 semaphore(%arg13 : memref<!tpu.dma_semaphore, #tpu.memory_space<semaphore_mem>>) src(%dma_wait3A_12 : memref<20000xi32, #tpu.memory_space<hbm>>) dst(%arg6 : memref<20000xi32, #tpu.memory_space<vmem>>)
    %dma_wait3A_13 = tpu.memref_slice %arg4[%add3A_7] : memref<12800000xi32, #tpu.memory_space<hbm>> -> memref<20000xi32, #tpu.memory_space<hbm>>
    %dma_wait3A_14 = tpu.memref_slice %arg4[%add3A_7] : memref<12800000xi32, #tpu.memory_space<hbm>> -> memref<20000xi32, #tpu.memory_space<hbm>>
    tpu.wait_dma2 semaphore(%arg13 : memref<!tpu.dma_semaphore, #tpu.memory_space<semaphore_mem>>) src(%dma_wait3A_14 : memref<20000xi32, #tpu.memory_space<hbm>>) dst(%arg7 : memref<20000xi32, #tpu.memory_space<vmem>>)
    %dma_start3A_15 = arith.constant 0 : i32
    %dma_start3A_16 = tpu.memref_slice %arg9[%dma_start3A_15] : memref<20000xf32, #tpu.memory_space<vmem>> -> memref<5504xf32, #tpu.memory_space<vmem>>
    %dma_start3A_17 = arith.constant 0 : i32
    %dma_start3A_18 = tpu.memref_slice %arg6[%dma_start3A_17] : memref<20000xi32, #tpu.memory_space<vmem>> -> memref<5504xi32, #tpu.memory_space<vmem>>
    %dma_start3A_19 = arith.constant 0 : i32
    %dma_start3A_20 = tpu.memref_slice %arg2[%dma_start3A_19] : memref<100000xf32, #tpu.memory_space<hbm>> -> memref<100000xf32, #tpu.memory_space<hbm>>
    tpu.enqueue_indirect_dma source(%dma_start3A_20 : memref<100000xf32, #tpu.memory_space<hbm>>) target(%dma_start3A_16 : memref<5504xf32, #tpu.memory_space<vmem>>) offsets(%dma_start3A_18 : memref<5504xi32, #tpu.memory_space<vmem>>) semaphore(%arg14 : memref<!tpu.dma_semaphore, #tpu.memory_space<semaphore_mem>>)
    "tpu.region"() ({
      %run_scoped3A = tpu.sem_alloc : memref<!tpu.dma_semaphore, #tpu.memory_space<semaphore_mem>>
      %dma_start3A_289 = arith.constant 5504 : i32
      %dma_start3A_290 = tpu.memref_slice %arg9[%dma_start3A_289] : memref<20000xf32, #tpu.memory_space<vmem>> -> memref<14496xf32, #tpu.memory_space<vmem>>
      %dma_start3A_291 = arith.constant 5504 : i32
      %dma_start3A_292 = tpu.memref_slice %arg6[%dma_start3A_291] : memref<20000xi32, #tpu.memory_space<vmem>> -> memref<14496xi32, #tpu.memory_space<vmem>>
      %dma_start3A_293 = arith.constant 0 : i32
      %dma_start3A_294 = tpu.memref_slice %arg11[%dma_start3A_293] : memref<100000xf32, #tpu.memory_space<vmem_shared>> -> memref<100000xf32, #tpu.memory_space<vmem_shared>>
      tpu.enqueue_indirect_dma source(%dma_start3A_294 : memref<100000xf32, #tpu.memory_space<vmem_shared>>) target(%dma_start3A_290 : memref<14496xf32, #tpu.memory_space<vmem>>) offsets(%dma_start3A_292 : memref<14496xi32, #tpu.memory_space<vmem>>) semaphore(%run_scoped3A : memref<!tpu.dma_semaphore, #tpu.memory_space<semaphore_mem>>)
      %dma_wait3A_295 = arith.constant 5504 : i32
      %dma_wait3A_296 = tpu.memref_slice %arg9[%dma_wait3A_295] : memref<20000xf32, #tpu.memory_space<vmem>> -> memref<14496xf32, #tpu.memory_space<vmem>>
      %dma_wait3A_297 = arith.constant 5504 : i32
      %dma_wait3A_298 = tpu.memref_slice %arg6[%dma_wait3A_297] : memref<20000xi32, #tpu.memory_space<vmem>> -> memref<14496xi32, #tpu.memory_space<vmem>>
      %dma_wait3A_299 = arith.constant 0 : i32
      %dma_wait3A_300 = tpu.memref_slice %arg11[%dma_wait3A_299] : memref<100000xf32, #tpu.memory_space<vmem_shared>> -> memref<100000xf32, #tpu.memory_space<vmem_shared>>
      tpu.wait_indirect_dma semaphore(%run_scoped3A : memref<!tpu.dma_semaphore, #tpu.memory_space<semaphore_mem>>) src(%dma_wait3A_300 : memref<100000xf32, #tpu.memory_space<vmem_shared>>) dst(%dma_wait3A_296 : memref<14496xf32, #tpu.memory_space<vmem>>)
      tpu.yield
    }) : () -> ()
    %dma_wait3A_21 = arith.constant 0 : i32
    %dma_wait3A_22 = tpu.memref_slice %arg9[%dma_wait3A_21] : memref<20000xf32, #tpu.memory_space<vmem>> -> memref<5504xf32, #tpu.memory_space<vmem>>
    %dma_wait3A_23 = arith.constant 0 : i32
    %dma_wait3A_24 = tpu.memref_slice %arg6[%dma_wait3A_23] : memref<20000xi32, #tpu.memory_space<vmem>> -> memref<5504xi32, #tpu.memory_space<vmem>>
    %dma_wait3A_25 = arith.constant 0 : i32
    %dma_wait3A_26 = tpu.memref_slice %arg2[%dma_wait3A_25] : memref<100000xf32, #tpu.memory_space<hbm>> -> memref<100000xf32, #tpu.memory_space<hbm>>
    tpu.wait_indirect_dma semaphore(%arg14 : memref<!tpu.dma_semaphore, #tpu.memory_space<semaphore_mem>>) src(%dma_wait3A_26 : memref<100000xf32, #tpu.memory_space<hbm>>) dst(%dma_wait3A_22 : memref<5504xf32, #tpu.memory_space<vmem>>)
    %add3A_27 = arith.constant 20000 : i32
    %add3A_28 = arith.addi %mul3A_2, %add3A_27 : i32
    %dma_start3A_29 = tpu.memref_slice %arg4[%add3A_28] : memref<12800000xi32, #tpu.memory_space<hbm>> -> memref<20000xi32, #tpu.memory_space<hbm>>
    %dma_start3A_30 = tpu.memref_slice %arg4[%add3A_28] : memref<12800000xi32, #tpu.memory_space<hbm>> -> memref<20000xi32, #tpu.memory_space<hbm>>
    tpu.enqueue_dma source(%dma_start3A_30 : memref<20000xi32, #tpu.memory_space<hbm>>) target(%arg6 : memref<20000xi32, #tpu.memory_space<vmem>>) target_semaphore(%arg13 : memref<!tpu.dma_semaphore, #tpu.memory_space<semaphore_mem>>)
    %add3A_31 = arith.constant 6400000 : i32
    %add3A_32 = arith.addi %add3A_31, %add3A_28 : i32
    %dma_start3A_33 = tpu.memref_slice %arg4[%add3A_32] : memref<12800000xi32, #tpu.memory_space<hbm>> -> memref<20000xi32, #tpu.memory_space<hbm>>
    %dma_start3A_34 = tpu.memref_slice %arg4[%add3A_32] : memref<12800000xi32, #tpu.memory_space<hbm>> -> memref<20000xi32, #tpu.memory_space<hbm>>
    tpu.enqueue_dma source(%dma_start3A_34 : memref<20000xi32, #tpu.memory_space<hbm>>) target(%arg8 : memref<20000xi32, #tpu.memory_space<vmem>>) target_semaphore(%arg13 : memref<!tpu.dma_semaphore, #tpu.memory_space<semaphore_mem>>)
    %dma_start3A_35 = arith.constant 0 : i32
    %dma_start3A_36 = tpu.memref_slice %arg12[%dma_start3A_35] : memref<100000xf32, #tpu.memory_space<vmem_shared>> -> memref<100000xf32, #tpu.memory_space<vmem_shared>>
    tpu.enqueue_indirect_dma source(%arg9 : memref<20000xf32, #tpu.memory_space<vmem>>) target(%dma_start3A_36 : memref<100000xf32, #tpu.memory_space<vmem_shared>>) offsets(%arg7 : memref<20000xi32, #tpu.memory_space<vmem>>) semaphore(%arg15 : memref<!tpu.dma_semaphore, #tpu.memory_space<semaphore_mem>>) {add = true}
    %dma_wait3A_37 = tpu.memref_slice %arg4[%add3A_28] : memref<12800000xi32, #tpu.memory_space<hbm>> -> memref<20000xi32, #tpu.memory_space<hbm>>
    %dma_wait3A_38 = tpu.memref_slice %arg4[%add3A_28] : memref<12800000xi32, #tpu.memory_space<hbm>> -> memref<20000xi32, #tpu.memory_space<hbm>>
    tpu.wait_dma2 semaphore(%arg13 : memref<!tpu.dma_semaphore, #tpu.memory_space<semaphore_mem>>) src(%dma_wait3A_38 : memref<20000xi32, #tpu.memory_space<hbm>>) dst(%arg6 : memref<20000xi32, #tpu.memory_space<vmem>>)
    %dma_wait3A_39 = tpu.memref_slice %arg4[%add3A_32] : memref<12800000xi32, #tpu.memory_space<hbm>> -> memref<20000xi32, #tpu.memory_space<hbm>>
    %dma_wait3A_40 = tpu.memref_slice %arg4[%add3A_32] : memref<12800000xi32, #tpu.memory_space<hbm>> -> memref<20000xi32, #tpu.memory_space<hbm>>
    tpu.wait_dma2 semaphore(%arg13 : memref<!tpu.dma_semaphore, #tpu.memory_space<semaphore_mem>>) src(%dma_wait3A_40 : memref<20000xi32, #tpu.memory_space<hbm>>) dst(%arg8 : memref<20000xi32, #tpu.memory_space<vmem>>)
    %dma_start3A_41 = arith.constant 0 : i32
    %dma_start3A_42 = tpu.memref_slice %arg10[%dma_start3A_41] : memref<20000xf32, #tpu.memory_space<vmem>> -> memref<5504xf32, #tpu.memory_space<vmem>>
    %dma_start3A_43 = arith.constant 0 : i32
    %dma_start3A_44 = tpu.memref_slice %arg6[%dma_start3A_43] : memref<20000xi32, #tpu.memory_space<vmem>> -> memref<5504xi32, #tpu.memory_space<vmem>>
    %dma_start3A_45 = arith.constant 0 : i32
    %dma_start3A_46 = tpu.memref_slice %arg2[%dma_start3A_45] : memref<100000xf32, #tpu.memory_space<hbm>> -> memref<100000xf32, #tpu.memory_space<hbm>>
    tpu.enqueue_indirect_dma source(%dma_start3A_46 : memref<100000xf32, #tpu.memory_space<hbm>>) target(%dma_start3A_42 : memref<5504xf32, #tpu.memory_space<vmem>>) offsets(%dma_start3A_44 : memref<5504xi32, #tpu.memory_space<vmem>>) semaphore(%arg14 : memref<!tpu.dma_semaphore, #tpu.memory_space<semaphore_mem>>)
    "tpu.region"() ({
      %run_scoped3A = tpu.sem_alloc : memref<!tpu.dma_semaphore, #tpu.memory_space<semaphore_mem>>
      %dma_start3A_289 = arith.constant 5504 : i32
      %dma_start3A_290 = tpu.memref_slice %arg10[%dma_start3A_289] : memref<20000xf32, #tpu.memory_space<vmem>> -> memref<14496xf32, #tpu.memory_space<vmem>>
      %dma_start3A_291 = arith.constant 5504 : i32
      %dma_start3A_292 = tpu.memref_slice %arg6[%dma_start3A_291] : memref<20000xi32, #tpu.memory_space<vmem>> -> memref<14496xi32, #tpu.memory_space<vmem>>
      %dma_start3A_293 = arith.constant 0 : i32
      %dma_start3A_294 = tpu.memref_slice %arg11[%dma_start3A_293] : memref<100000xf32, #tpu.memory_space<vmem_shared>> -> memref<100000xf32, #tpu.memory_space<vmem_shared>>
      tpu.enqueue_indirect_dma source(%dma_start3A_294 : memref<100000xf32, #tpu.memory_space<vmem_shared>>) target(%dma_start3A_290 : memref<14496xf32, #tpu.memory_space<vmem>>) offsets(%dma_start3A_292 : memref<14496xi32, #tpu.memory_space<vmem>>) semaphore(%run_scoped3A : memref<!tpu.dma_semaphore, #tpu.memory_space<semaphore_mem>>)
      %dma_wait3A_295 = arith.constant 5504 : i32
      %dma_wait3A_296 = tpu.memref_slice %arg10[%dma_wait3A_295] : memref<20000xf32, #tpu.memory_space<vmem>> -> memref<14496xf32, #tpu.memory_space<vmem>>
      %dma_wait3A_297 = arith.constant 5504 : i32
      %dma_wait3A_298 = tpu.memref_slice %arg6[%dma_wait3A_297] : memref<20000xi32, #tpu.memory_space<vmem>> -> memref<14496xi32, #tpu.memory_space<vmem>>
      %dma_wait3A_299 = arith.constant 0 : i32
      %dma_wait3A_300 = tpu.memref_slice %arg11[%dma_wait3A_299] : memref<100000xf32, #tpu.memory_space<vmem_shared>> -> memref<100000xf32, #tpu.memory_space<vmem_shared>>
      tpu.wait_indirect_dma semaphore(%run_scoped3A : memref<!tpu.dma_semaphore, #tpu.memory_space<semaphore_mem>>) src(%dma_wait3A_300 : memref<100000xf32, #tpu.memory_space<vmem_shared>>) dst(%dma_wait3A_296 : memref<14496xf32, #tpu.memory_space<vmem>>)
      tpu.yield
    }) : () -> ()
    %dma_wait3A_47 = arith.constant 0 : i32
    %dma_wait3A_48 = tpu.memref_slice %arg10[%dma_wait3A_47] : memref<20000xf32, #tpu.memory_space<vmem>> -> memref<5504xf32, #tpu.memory_space<vmem>>
    %dma_wait3A_49 = arith.constant 0 : i32
    %dma_wait3A_50 = tpu.memref_slice %arg6[%dma_wait3A_49] : memref<20000xi32, #tpu.memory_space<vmem>> -> memref<5504xi32, #tpu.memory_space<vmem>>
    %dma_wait3A_51 = arith.constant 0 : i32
    %dma_wait3A_52 = tpu.memref_slice %arg2[%dma_wait3A_51] : memref<100000xf32, #tpu.memory_space<hbm>> -> memref<100000xf32, #tpu.memory_space<hbm>>
    tpu.wait_indirect_dma semaphore(%arg14 : memref<!tpu.dma_semaphore, #tpu.memory_space<semaphore_mem>>) src(%dma_wait3A_52 : memref<100000xf32, #tpu.memory_space<hbm>>) dst(%dma_wait3A_48 : memref<5504xf32, #tpu.memory_space<vmem>>)
    %dma_wait3A_53 = arith.constant 0 : i32
    %dma_wait3A_54 = tpu.memref_slice %arg12[%dma_wait3A_53] : memref<100000xf32, #tpu.memory_space<vmem_shared>> -> memref<100000xf32, #tpu.memory_space<vmem_shared>>
    tpu.wait_indirect_dma semaphore(%arg15 : memref<!tpu.dma_semaphore, #tpu.memory_space<semaphore_mem>>) src(%arg9 : memref<20000xf32, #tpu.memory_space<vmem>>) dst(%dma_wait3A_54 : memref<100000xf32, #tpu.memory_space<vmem_shared>>)
    %add3A_55 = arith.constant 40000 : i32
    %add3A_56 = arith.addi %mul3A_2, %add3A_55 : i32
    %dma_start3A_57 = tpu.memref_slice %arg4[%add3A_56] : memref<12800000xi32, #tpu.memory_space<hbm>> -> memref<20000xi32, #tpu.memory_space<hbm>>
    %dma_start3A_58 = tpu.memref_slice %arg4[%add3A_56] : memref<12800000xi32, #tpu.memory_space<hbm>> -> memref<20000xi32, #tpu.memory_space<hbm>>
    tpu.enqueue_dma source(%dma_start3A_58 : memref<20000xi32, #tpu.memory_space<hbm>>) target(%arg6 : memref<20000xi32, #tpu.memory_space<vmem>>) target_semaphore(%arg13 : memref<!tpu.dma_semaphore, #tpu.memory_space<semaphore_mem>>)
    %add3A_59 = arith.constant 6400000 : i32
    %add3A_60 = arith.addi %add3A_59, %add3A_56 : i32
    %dma_start3A_61 = tpu.memref_slice %arg4[%add3A_60] : memref<12800000xi32, #tpu.memory_space<hbm>> -> memref<20000xi32, #tpu.memory_space<hbm>>
    %dma_start3A_62 = tpu.memref_slice %arg4[%add3A_60] : memref<12800000xi32, #tpu.memory_space<hbm>> -> memref<20000xi32, #tpu.memory_space<hbm>>
    tpu.enqueue_dma source(%dma_start3A_62 : memref<20000xi32, #tpu.memory_space<hbm>>) target(%arg7 : memref<20000xi32, #tpu.memory_space<vmem>>) target_semaphore(%arg13 : memref<!tpu.dma_semaphore, #tpu.memory_space<semaphore_mem>>)
    %dma_start3A_63 = arith.constant 0 : i32
    %dma_start3A_64 = tpu.memref_slice %arg12[%dma_start3A_63] : memref<100000xf32, #tpu.memory_space<vmem_shared>> -> memref<100000xf32, #tpu.memory_space<vmem_shared>>
    tpu.enqueue_indirect_dma source(%arg10 : memref<20000xf32, #tpu.memory_space<vmem>>) target(%dma_start3A_64 : memref<100000xf32, #tpu.memory_space<vmem_shared>>) offsets(%arg8 : memref<20000xi32, #tpu.memory_space<vmem>>) semaphore(%arg15 : memref<!tpu.dma_semaphore, #tpu.memory_space<semaphore_mem>>) {add = true}
    %dma_wait3A_65 = tpu.memref_slice %arg4[%add3A_56] : memref<12800000xi32, #tpu.memory_space<hbm>> -> memref<20000xi32, #tpu.memory_space<hbm>>
    %dma_wait3A_66 = tpu.memref_slice %arg4[%add3A_56] : memref<12800000xi32, #tpu.memory_space<hbm>> -> memref<20000xi32, #tpu.memory_space<hbm>>
    tpu.wait_dma2 semaphore(%arg13 : memref<!tpu.dma_semaphore, #tpu.memory_space<semaphore_mem>>) src(%dma_wait3A_66 : memref<20000xi32, #tpu.memory_space<hbm>>) dst(%arg6 : memref<20000xi32, #tpu.memory_space<vmem>>)
    %dma_wait3A_67 = tpu.memref_slice %arg4[%add3A_60] : memref<12800000xi32, #tpu.memory_space<hbm>> -> memref<20000xi32, #tpu.memory_space<hbm>>
    %dma_wait3A_68 = tpu.memref_slice %arg4[%add3A_60] : memref<12800000xi32, #tpu.memory_space<hbm>> -> memref<20000xi32, #tpu.memory_space<hbm>>
    tpu.wait_dma2 semaphore(%arg13 : memref<!tpu.dma_semaphore, #tpu.memory_space<semaphore_mem>>) src(%dma_wait3A_68 : memref<20000xi32, #tpu.memory_space<hbm>>) dst(%arg7 : memref<20000xi32, #tpu.memory_space<vmem>>)
    %dma_start3A_69 = arith.constant 0 : i32
    %dma_start3A_70 = tpu.memref_slice %arg9[%dma_start3A_69] : memref<20000xf32, #tpu.memory_space<vmem>> -> memref<5504xf32, #tpu.memory_space<vmem>>
    %dma_start3A_71 = arith.constant 0 : i32
    %dma_start3A_72 = tpu.memref_slice %arg6[%dma_start3A_71] : memref<20000xi32, #tpu.memory_space<vmem>> -> memref<5504xi32, #tpu.memory_space<vmem>>
    %dma_start3A_73 = arith.constant 0 : i32
    %dma_start3A_74 = tpu.memref_slice %arg2[%dma_start3A_73] : memref<100000xf32, #tpu.memory_space<hbm>> -> memref<100000xf32, #tpu.memory_space<hbm>>
    tpu.enqueue_indirect_dma source(%dma_start3A_74 : memref<100000xf32, #tpu.memory_space<hbm>>) target(%dma_start3A_70 : memref<5504xf32, #tpu.memory_space<vmem>>) offsets(%dma_start3A_72 : memref<5504xi32, #tpu.memory_space<vmem>>) semaphore(%arg14 : memref<!tpu.dma_semaphore, #tpu.memory_space<semaphore_mem>>)
    "tpu.region"() ({
      %run_scoped3A = tpu.sem_alloc : memref<!tpu.dma_semaphore, #tpu.memory_space<semaphore_mem>>
      %dma_start3A_289 = arith.constant 5504 : i32
      %dma_start3A_290 = tpu.memref_slice %arg9[%dma_start3A_289] : memref<20000xf32, #tpu.memory_space<vmem>> -> memref<14496xf32, #tpu.memory_space<vmem>>
      %dma_start3A_291 = arith.constant 5504 : i32
      %dma_start3A_292 = tpu.memref_slice %arg6[%dma_start3A_291] : memref<20000xi32, #tpu.memory_space<vmem>> -> memref<14496xi32, #tpu.memory_space<vmem>>
      %dma_start3A_293 = arith.constant 0 : i32
      %dma_start3A_294 = tpu.memref_slice %arg11[%dma_start3A_293] : memref<100000xf32, #tpu.memory_space<vmem_shared>> -> memref<100000xf32, #tpu.memory_space<vmem_shared>>
      tpu.enqueue_indirect_dma source(%dma_start3A_294 : memref<100000xf32, #tpu.memory_space<vmem_shared>>) target(%dma_start3A_290 : memref<14496xf32, #tpu.memory_space<vmem>>) offsets(%dma_start3A_292 : memref<14496xi32, #tpu.memory_space<vmem>>) semaphore(%run_scoped3A : memref<!tpu.dma_semaphore, #tpu.memory_space<semaphore_mem>>)
      %dma_wait3A_295 = arith.constant 5504 : i32
      %dma_wait3A_296 = tpu.memref_slice %arg9[%dma_wait3A_295] : memref<20000xf32, #tpu.memory_space<vmem>> -> memref<14496xf32, #tpu.memory_space<vmem>>
      %dma_wait3A_297 = arith.constant 5504 : i32
      %dma_wait3A_298 = tpu.memref_slice %arg6[%dma_wait3A_297] : memref<20000xi32, #tpu.memory_space<vmem>> -> memref<14496xi32, #tpu.memory_space<vmem>>
      %dma_wait3A_299 = arith.constant 0 : i32
      %dma_wait3A_300 = tpu.memref_slice %arg11[%dma_wait3A_299] : memref<100000xf32, #tpu.memory_space<vmem_shared>> -> memref<100000xf32, #tpu.memory_space<vmem_shared>>
      tpu.wait_indirect_dma semaphore(%run_scoped3A : memref<!tpu.dma_semaphore, #tpu.memory_space<semaphore_mem>>) src(%dma_wait3A_300 : memref<100000xf32, #tpu.memory_space<vmem_shared>>) dst(%dma_wait3A_296 : memref<14496xf32, #tpu.memory_space<vmem>>)
      tpu.yield
    }) : () -> ()
    %dma_wait3A_75 = arith.constant 0 : i32
    %dma_wait3A_76 = tpu.memref_slice %arg9[%dma_wait3A_75] : memref<20000xf32, #tpu.memory_space<vmem>> -> memref<5504xf32, #tpu.memory_space<vmem>>
    %dma_wait3A_77 = arith.constant 0 : i32
    %dma_wait3A_78 = tpu.memref_slice %arg6[%dma_wait3A_77] : memref<20000xi32, #tpu.memory_space<vmem>> -> memref<5504xi32, #tpu.memory_space<vmem>>
    %dma_wait3A_79 = arith.constant 0 : i32
    %dma_wait3A_80 = tpu.memref_slice %arg2[%dma_wait3A_79] : memref<100000xf32, #tpu.memory_space<hbm>> -> memref<100000xf32, #tpu.memory_space<hbm>>
    tpu.wait_indirect_dma semaphore(%arg14 : memref<!tpu.dma_semaphore, #tpu.memory_space<semaphore_mem>>) src(%dma_wait3A_80 : memref<100000xf32, #tpu.memory_space<hbm>>) dst(%dma_wait3A_76 : memref<5504xf32, #tpu.memory_space<vmem>>)
    %dma_wait3A_81 = arith.constant 0 : i32
    %dma_wait3A_82 = tpu.memref_slice %arg12[%dma_wait3A_81] : memref<100000xf32, #tpu.memory_space<vmem_shared>> -> memref<100000xf32, #tpu.memory_space<vmem_shared>>
    tpu.wait_indirect_dma semaphore(%arg15 : memref<!tpu.dma_semaphore, #tpu.memory_space<semaphore_mem>>) src(%arg10 : memref<20000xf32, #tpu.memory_space<vmem>>) dst(%dma_wait3A_82 : memref<100000xf32, #tpu.memory_space<vmem_shared>>)
    %add3A_83 = arith.constant 60000 : i32
    %add3A_84 = arith.addi %mul3A_2, %add3A_83 : i32
    %dma_start3A_85 = tpu.memref_slice %arg4[%add3A_84] : memref<12800000xi32, #tpu.memory_space<hbm>> -> memref<20000xi32, #tpu.memory_space<hbm>>
    %dma_start3A_86 = tpu.memref_slice %arg4[%add3A_84] : memref<12800000xi32, #tpu.memory_space<hbm>> -> memref<20000xi32, #tpu.memory_space<hbm>>
    tpu.enqueue_dma source(%dma_start3A_86 : memref<20000xi32, #tpu.memory_space<hbm>>) target(%arg6 : memref<20000xi32, #tpu.memory_space<vmem>>) target_semaphore(%arg13 : memref<!tpu.dma_semaphore, #tpu.memory_space<semaphore_mem>>)
    %add3A_87 = arith.constant 6400000 : i32
    %add3A_88 = arith.addi %add3A_87, %add3A_84 : i32
    %dma_start3A_89 = tpu.memref_slice %arg4[%add3A_88] : memref<12800000xi32, #tpu.memory_space<hbm>> -> memref<20000xi32, #tpu.memory_space<hbm>>
    %dma_start3A_90 = tpu.memref_slice %arg4[%add3A_88] : memref<12800000xi32, #tpu.memory_space<hbm>> -> memref<20000xi32, #tpu.memory_space<hbm>>
    tpu.enqueue_dma source(%dma_start3A_90 : memref<20000xi32, #tpu.memory_space<hbm>>) target(%arg8 : memref<20000xi32, #tpu.memory_space<vmem>>) target_semaphore(%arg13 : memref<!tpu.dma_semaphore, #tpu.memory_space<semaphore_mem>>)
    %dma_start3A_91 = arith.constant 0 : i32
    %dma_start3A_92 = tpu.memref_slice %arg12[%dma_start3A_91] : memref<100000xf32, #tpu.memory_space<vmem_shared>> -> memref<100000xf32, #tpu.memory_space<vmem_shared>>
    tpu.enqueue_indirect_dma source(%arg9 : memref<20000xf32, #tpu.memory_space<vmem>>) target(%dma_start3A_92 : memref<100000xf32, #tpu.memory_space<vmem_shared>>) offsets(%arg7 : memref<20000xi32, #tpu.memory_space<vmem>>) semaphore(%arg15 : memref<!tpu.dma_semaphore, #tpu.memory_space<semaphore_mem>>) {add = true}
    %dma_wait3A_93 = tpu.memref_slice %arg4[%add3A_84] : memref<12800000xi32, #tpu.memory_space<hbm>> -> memref<20000xi32, #tpu.memory_space<hbm>>
    %dma_wait3A_94 = tpu.memref_slice %arg4[%add3A_84] : memref<12800000xi32, #tpu.memory_space<hbm>> -> memref<20000xi32, #tpu.memory_space<hbm>>
    tpu.wait_dma2 semaphore(%arg13 : memref<!tpu.dma_semaphore, #tpu.memory_space<semaphore_mem>>) src(%dma_wait3A_94 : memref<20000xi32, #tpu.memory_space<hbm>>) dst(%arg6 : memref<20000xi32, #tpu.memory_space<vmem>>)
    %dma_wait3A_95 = tpu.memref_slice %arg4[%add3A_88] : memref<12800000xi32, #tpu.memory_space<hbm>> -> memref<20000xi32, #tpu.memory_space<hbm>>
    %dma_wait3A_96 = tpu.memref_slice %arg4[%add3A_88] : memref<12800000xi32, #tpu.memory_space<hbm>> -> memref<20000xi32, #tpu.memory_space<hbm>>
    tpu.wait_dma2 semaphore(%arg13 : memref<!tpu.dma_semaphore, #tpu.memory_space<semaphore_mem>>) src(%dma_wait3A_96 : memref<20000xi32, #tpu.memory_space<hbm>>) dst(%arg8 : memref<20000xi32, #tpu.memory_space<vmem>>)
    %dma_start3A_97 = arith.constant 0 : i32
    %dma_start3A_98 = tpu.memref_slice %arg10[%dma_start3A_97] : memref<20000xf32, #tpu.memory_space<vmem>> -> memref<5504xf32, #tpu.memory_space<vmem>>
    %dma_start3A_99 = arith.constant 0 : i32
    %dma_start3A_100 = tpu.memref_slice %arg6[%dma_start3A_99] : memref<20000xi32, #tpu.memory_space<vmem>> -> memref<5504xi32, #tpu.memory_space<vmem>>
    %dma_start3A_101 = arith.constant 0 : i32
    %dma_start3A_102 = tpu.memref_slice %arg2[%dma_start3A_101] : memref<100000xf32, #tpu.memory_space<hbm>> -> memref<100000xf32, #tpu.memory_space<hbm>>
    tpu.enqueue_indirect_dma source(%dma_start3A_102 : memref<100000xf32, #tpu.memory_space<hbm>>) target(%dma_start3A_98 : memref<5504xf32, #tpu.memory_space<vmem>>) offsets(%dma_start3A_100 : memref<5504xi32, #tpu.memory_space<vmem>>) semaphore(%arg14 : memref<!tpu.dma_semaphore, #tpu.memory_space<semaphore_mem>>)
    "tpu.region"() ({
      %run_scoped3A = tpu.sem_alloc : memref<!tpu.dma_semaphore, #tpu.memory_space<semaphore_mem>>
      %dma_start3A_289 = arith.constant 5504 : i32
      %dma_start3A_290 = tpu.memref_slice %arg10[%dma_start3A_289] : memref<20000xf32, #tpu.memory_space<vmem>> -> memref<14496xf32, #tpu.memory_space<vmem>>
      %dma_start3A_291 = arith.constant 5504 : i32
      %dma_start3A_292 = tpu.memref_slice %arg6[%dma_start3A_291] : memref<20000xi32, #tpu.memory_space<vmem>> -> memref<14496xi32, #tpu.memory_space<vmem>>
      %dma_start3A_293 = arith.constant 0 : i32
      %dma_start3A_294 = tpu.memref_slice %arg11[%dma_start3A_293] : memref<100000xf32, #tpu.memory_space<vmem_shared>> -> memref<100000xf32, #tpu.memory_space<vmem_shared>>
      tpu.enqueue_indirect_dma source(%dma_start3A_294 : memref<100000xf32, #tpu.memory_space<vmem_shared>>) target(%dma_start3A_290 : memref<14496xf32, #tpu.memory_space<vmem>>) offsets(%dma_start3A_292 : memref<14496xi32, #tpu.memory_space<vmem>>) semaphore(%run_scoped3A : memref<!tpu.dma_semaphore, #tpu.memory_space<semaphore_mem>>)
      %dma_wait3A_295 = arith.constant 5504 : i32
      %dma_wait3A_296 = tpu.memref_slice %arg10[%dma_wait3A_295] : memref<20000xf32, #tpu.memory_space<vmem>> -> memref<14496xf32, #tpu.memory_space<vmem>>
      %dma_wait3A_297 = arith.constant 5504 : i32
      %dma_wait3A_298 = tpu.memref_slice %arg6[%dma_wait3A_297] : memref<20000xi32, #tpu.memory_space<vmem>> -> memref<14496xi32, #tpu.memory_space<vmem>>
      %dma_wait3A_299 = arith.constant 0 : i32
      %dma_wait3A_300 = tpu.memref_slice %arg11[%dma_wait3A_299] : memref<100000xf32, #tpu.memory_space<vmem_shared>> -> memref<100000xf32, #tpu.memory_space<vmem_shared>>
      tpu.wait_indirect_dma semaphore(%run_scoped3A : memref<!tpu.dma_semaphore, #tpu.memory_space<semaphore_mem>>) src(%dma_wait3A_300 : memref<100000xf32, #tpu.memory_space<vmem_shared>>) dst(%dma_wait3A_296 : memref<14496xf32, #tpu.memory_space<vmem>>)
      tpu.yield
    }) : () -> ()
    %dma_wait3A_103 = arith.constant 0 : i32
    %dma_wait3A_104 = tpu.memref_slice %arg10[%dma_wait3A_103] : memref<20000xf32, #tpu.memory_space<vmem>> -> memref<5504xf32, #tpu.memory_space<vmem>>
    %dma_wait3A_105 = arith.constant 0 : i32
    %dma_wait3A_106 = tpu.memref_slice %arg6[%dma_wait3A_105] : memref<20000xi32, #tpu.memory_space<vmem>> -> memref<5504xi32, #tpu.memory_space<vmem>>
    %dma_wait3A_107 = arith.constant 0 : i32
    %dma_wait3A_108 = tpu.memref_slice %arg2[%dma_wait3A_107] : memref<100000xf32, #tpu.memory_space<hbm>> -> memref<100000xf32, #tpu.memory_space<hbm>>
    tpu.wait_indirect_dma semaphore(%arg14 : memref<!tpu.dma_semaphore, #tpu.memory_space<semaphore_mem>>) src(%dma_wait3A_108 : memref<100000xf32, #tpu.memory_space<hbm>>) dst(%dma_wait3A_104 : memref<5504xf32, #tpu.memory_space<vmem>>)
    %dma_wait3A_109 = arith.constant 0 : i32
    %dma_wait3A_110 = tpu.memref_slice %arg12[%dma_wait3A_109] : memref<100000xf32, #tpu.memory_space<vmem_shared>> -> memref<100000xf32, #tpu.memory_space<vmem_shared>>
    tpu.wait_indirect_dma semaphore(%arg15 : memref<!tpu.dma_semaphore, #tpu.memory_space<semaphore_mem>>) src(%arg9 : memref<20000xf32, #tpu.memory_space<vmem>>) dst(%dma_wait3A_110 : memref<100000xf32, #tpu.memory_space<vmem_shared>>)
    %add3A_111 = arith.constant 80000 : i32
    %add3A_112 = arith.addi %mul3A_2, %add3A_111 : i32
    %dma_start3A_113 = tpu.memref_slice %arg4[%add3A_112] : memref<12800000xi32, #tpu.memory_space<hbm>> -> memref<20000xi32, #tpu.memory_space<hbm>>
    %dma_start3A_114 = tpu.memref_slice %arg4[%add3A_112] : memref<12800000xi32, #tpu.memory_space<hbm>> -> memref<20000xi32, #tpu.memory_space<hbm>>
    tpu.enqueue_dma source(%dma_start3A_114 : memref<20000xi32, #tpu.memory_space<hbm>>) target(%arg6 : memref<20000xi32, #tpu.memory_space<vmem>>) target_semaphore(%arg13 : memref<!tpu.dma_semaphore, #tpu.memory_space<semaphore_mem>>)
    %add3A_115 = arith.constant 6400000 : i32
    %add3A_116 = arith.addi %add3A_115, %add3A_112 : i32
    %dma_start3A_117 = tpu.memref_slice %arg4[%add3A_116] : memref<12800000xi32, #tpu.memory_space<hbm>> -> memref<20000xi32, #tpu.memory_space<hbm>>
    %dma_start3A_118 = tpu.memref_slice %arg4[%add3A_116] : memref<12800000xi32, #tpu.memory_space<hbm>> -> memref<20000xi32, #tpu.memory_space<hbm>>
    tpu.enqueue_dma source(%dma_start3A_118 : memref<20000xi32, #tpu.memory_space<hbm>>) target(%arg7 : memref<20000xi32, #tpu.memory_space<vmem>>) target_semaphore(%arg13 : memref<!tpu.dma_semaphore, #tpu.memory_space<semaphore_mem>>)
    %dma_start3A_119 = arith.constant 0 : i32
    %dma_start3A_120 = tpu.memref_slice %arg12[%dma_start3A_119] : memref<100000xf32, #tpu.memory_space<vmem_shared>> -> memref<100000xf32, #tpu.memory_space<vmem_shared>>
    tpu.enqueue_indirect_dma source(%arg10 : memref<20000xf32, #tpu.memory_space<vmem>>) target(%dma_start3A_120 : memref<100000xf32, #tpu.memory_space<vmem_shared>>) offsets(%arg8 : memref<20000xi32, #tpu.memory_space<vmem>>) semaphore(%arg15 : memref<!tpu.dma_semaphore, #tpu.memory_space<semaphore_mem>>) {add = true}
    %dma_wait3A_121 = tpu.memref_slice %arg4[%add3A_112] : memref<12800000xi32, #tpu.memory_space<hbm>> -> memref<20000xi32, #tpu.memory_space<hbm>>
    %dma_wait3A_122 = tpu.memref_slice %arg4[%add3A_112] : memref<12800000xi32, #tpu.memory_space<hbm>> -> memref<20000xi32, #tpu.memory_space<hbm>>
    tpu.wait_dma2 semaphore(%arg13 : memref<!tpu.dma_semaphore, #tpu.memory_space<semaphore_mem>>) src(%dma_wait3A_122 : memref<20000xi32, #tpu.memory_space<hbm>>) dst(%arg6 : memref<20000xi32, #tpu.memory_space<vmem>>)
    %dma_wait3A_123 = tpu.memref_slice %arg4[%add3A_116] : memref<12800000xi32, #tpu.memory_space<hbm>> -> memref<20000xi32, #tpu.memory_space<hbm>>
    %dma_wait3A_124 = tpu.memref_slice %arg4[%add3A_116] : memref<12800000xi32, #tpu.memory_space<hbm>> -> memref<20000xi32, #tpu.memory_space<hbm>>
    tpu.wait_dma2 semaphore(%arg13 : memref<!tpu.dma_semaphore, #tpu.memory_space<semaphore_mem>>) src(%dma_wait3A_124 : memref<20000xi32, #tpu.memory_space<hbm>>) dst(%arg7 : memref<20000xi32, #tpu.memory_space<vmem>>)
    %dma_start3A_125 = arith.constant 0 : i32
    %dma_start3A_126 = tpu.memref_slice %arg9[%dma_start3A_125] : memref<20000xf32, #tpu.memory_space<vmem>> -> memref<5504xf32, #tpu.memory_space<vmem>>
    %dma_start3A_127 = arith.constant 0 : i32
    %dma_start3A_128 = tpu.memref_slice %arg6[%dma_start3A_127] : memref<20000xi32, #tpu.memory_space<vmem>> -> memref<5504xi32, #tpu.memory_space<vmem>>
    %dma_start3A_129 = arith.constant 0 : i32
    %dma_start3A_130 = tpu.memref_slice %arg2[%dma_start3A_129] : memref<100000xf32, #tpu.memory_space<hbm>> -> memref<100000xf32, #tpu.memory_space<hbm>>
    tpu.enqueue_indirect_dma source(%dma_start3A_130 : memref<100000xf32, #tpu.memory_space<hbm>>) target(%dma_start3A_126 : memref<5504xf32, #tpu.memory_space<vmem>>) offsets(%dma_start3A_128 : memref<5504xi32, #tpu.memory_space<vmem>>) semaphore(%arg14 : memref<!tpu.dma_semaphore, #tpu.memory_space<semaphore_mem>>)
    "tpu.region"() ({
      %run_scoped3A = tpu.sem_alloc : memref<!tpu.dma_semaphore, #tpu.memory_space<semaphore_mem>>
      %dma_start3A_289 = arith.constant 5504 : i32
      %dma_start3A_290 = tpu.memref_slice %arg9[%dma_start3A_289] : memref<20000xf32, #tpu.memory_space<vmem>> -> memref<14496xf32, #tpu.memory_space<vmem>>
      %dma_start3A_291 = arith.constant 5504 : i32
      %dma_start3A_292 = tpu.memref_slice %arg6[%dma_start3A_291] : memref<20000xi32, #tpu.memory_space<vmem>> -> memref<14496xi32, #tpu.memory_space<vmem>>
      %dma_start3A_293 = arith.constant 0 : i32
      %dma_start3A_294 = tpu.memref_slice %arg11[%dma_start3A_293] : memref<100000xf32, #tpu.memory_space<vmem_shared>> -> memref<100000xf32, #tpu.memory_space<vmem_shared>>
      tpu.enqueue_indirect_dma source(%dma_start3A_294 : memref<100000xf32, #tpu.memory_space<vmem_shared>>) target(%dma_start3A_290 : memref<14496xf32, #tpu.memory_space<vmem>>) offsets(%dma_start3A_292 : memref<14496xi32, #tpu.memory_space<vmem>>) semaphore(%run_scoped3A : memref<!tpu.dma_semaphore, #tpu.memory_space<semaphore_mem>>)
      %dma_wait3A_295 = arith.constant 5504 : i32
      %dma_wait3A_296 = tpu.memref_slice %arg9[%dma_wait3A_295] : memref<20000xf32, #tpu.memory_space<vmem>> -> memref<14496xf32, #tpu.memory_space<vmem>>
      %dma_wait3A_297 = arith.constant 5504 : i32
      %dma_wait3A_298 = tpu.memref_slice %arg6[%dma_wait3A_297] : memref<20000xi32, #tpu.memory_space<vmem>> -> memref<14496xi32, #tpu.memory_space<vmem>>
      %dma_wait3A_299 = arith.constant 0 : i32
      %dma_wait3A_300 = tpu.memref_slice %arg11[%dma_wait3A_299] : memref<100000xf32, #tpu.memory_space<vmem_shared>> -> memref<100000xf32, #tpu.memory_space<vmem_shared>>
      tpu.wait_indirect_dma semaphore(%run_scoped3A : memref<!tpu.dma_semaphore, #tpu.memory_space<semaphore_mem>>) src(%dma_wait3A_300 : memref<100000xf32, #tpu.memory_space<vmem_shared>>) dst(%dma_wait3A_296 : memref<14496xf32, #tpu.memory_space<vmem>>)
      tpu.yield
    }) : () -> ()
    %dma_wait3A_131 = arith.constant 0 : i32
    %dma_wait3A_132 = tpu.memref_slice %arg9[%dma_wait3A_131] : memref<20000xf32, #tpu.memory_space<vmem>> -> memref<5504xf32, #tpu.memory_space<vmem>>
    %dma_wait3A_133 = arith.constant 0 : i32
    %dma_wait3A_134 = tpu.memref_slice %arg6[%dma_wait3A_133] : memref<20000xi32, #tpu.memory_space<vmem>> -> memref<5504xi32, #tpu.memory_space<vmem>>
    %dma_wait3A_135 = arith.constant 0 : i32
    %dma_wait3A_136 = tpu.memref_slice %arg2[%dma_wait3A_135] : memref<100000xf32, #tpu.memory_space<hbm>> -> memref<100000xf32, #tpu.memory_space<hbm>>
    tpu.wait_indirect_dma semaphore(%arg14 : memref<!tpu.dma_semaphore, #tpu.memory_space<semaphore_mem>>) src(%dma_wait3A_136 : memref<100000xf32, #tpu.memory_space<hbm>>) dst(%dma_wait3A_132 : memref<5504xf32, #tpu.memory_space<vmem>>)
    %dma_wait3A_137 = arith.constant 0 : i32
    %dma_wait3A_138 = tpu.memref_slice %arg12[%dma_wait3A_137] : memref<100000xf32, #tpu.memory_space<vmem_shared>> -> memref<100000xf32, #tpu.memory_space<vmem_shared>>
    tpu.wait_indirect_dma semaphore(%arg15 : memref<!tpu.dma_semaphore, #tpu.memory_space<semaphore_mem>>) src(%arg10 : memref<20000xf32, #tpu.memory_space<vmem>>) dst(%dma_wait3A_138 : memref<100000xf32, #tpu.memory_space<vmem_shared>>)
    %add3A_139 = arith.constant 100000 : i32
    %add3A_140 = arith.addi %mul3A_2, %add3A_139 : i32
    %dma_start3A_141 = tpu.memref_slice %arg4[%add3A_140] : memref<12800000xi32, #tpu.memory_space<hbm>> -> memref<20000xi32, #tpu.memory_space<hbm>>
    %dma_start3A_142 = tpu.memref_slice %arg4[%add3A_140] : memref<12800000xi32, #tpu.memory_space<hbm>> -> memref<20000xi32, #tpu.memory_space<hbm>>
    tpu.enqueue_dma source(%dma_start3A_142 : memref<20000xi32, #tpu.memory_space<hbm>>) target(%arg6 : memref<20000xi32, #tpu.memory_space<vmem>>) target_semaphore(%arg13 : memref<!tpu.dma_semaphore, #tpu.memory_space<semaphore_mem>>)
    %add3A_143 = arith.constant 6400000 : i32
    %add3A_144 = arith.addi %add3A_143, %add3A_140 : i32
    %dma_start3A_145 = tpu.memref_slice %arg4[%add3A_144] : memref<12800000xi32, #tpu.memory_space<hbm>> -> memref<20000xi32, #tpu.memory_space<hbm>>
    %dma_start3A_146 = tpu.memref_slice %arg4[%add3A_144] : memref<12800000xi32, #tpu.memory_space<hbm>> -> memref<20000xi32, #tpu.memory_space<hbm>>
    tpu.enqueue_dma source(%dma_start3A_146 : memref<20000xi32, #tpu.memory_space<hbm>>) target(%arg8 : memref<20000xi32, #tpu.memory_space<vmem>>) target_semaphore(%arg13 : memref<!tpu.dma_semaphore, #tpu.memory_space<semaphore_mem>>)
    %dma_start3A_147 = arith.constant 0 : i32
    %dma_start3A_148 = tpu.memref_slice %arg12[%dma_start3A_147] : memref<100000xf32, #tpu.memory_space<vmem_shared>> -> memref<100000xf32, #tpu.memory_space<vmem_shared>>
    tpu.enqueue_indirect_dma source(%arg9 : memref<20000xf32, #tpu.memory_space<vmem>>) target(%dma_start3A_148 : memref<100000xf32, #tpu.memory_space<vmem_shared>>) offsets(%arg7 : memref<20000xi32, #tpu.memory_space<vmem>>) semaphore(%arg15 : memref<!tpu.dma_semaphore, #tpu.memory_space<semaphore_mem>>) {add = true}
    %dma_wait3A_149 = tpu.memref_slice %arg4[%add3A_140] : memref<12800000xi32, #tpu.memory_space<hbm>> -> memref<20000xi32, #tpu.memory_space<hbm>>
    %dma_wait3A_150 = tpu.memref_slice %arg4[%add3A_140] : memref<12800000xi32, #tpu.memory_space<hbm>> -> memref<20000xi32, #tpu.memory_space<hbm>>
    tpu.wait_dma2 semaphore(%arg13 : memref<!tpu.dma_semaphore, #tpu.memory_space<semaphore_mem>>) src(%dma_wait3A_150 : memref<20000xi32, #tpu.memory_space<hbm>>) dst(%arg6 : memref<20000xi32, #tpu.memory_space<vmem>>)
    %dma_wait3A_151 = tpu.memref_slice %arg4[%add3A_144] : memref<12800000xi32, #tpu.memory_space<hbm>> -> memref<20000xi32, #tpu.memory_space<hbm>>
    %dma_wait3A_152 = tpu.memref_slice %arg4[%add3A_144] : memref<12800000xi32, #tpu.memory_space<hbm>> -> memref<20000xi32, #tpu.memory_space<hbm>>
    tpu.wait_dma2 semaphore(%arg13 : memref<!tpu.dma_semaphore, #tpu.memory_space<semaphore_mem>>) src(%dma_wait3A_152 : memref<20000xi32, #tpu.memory_space<hbm>>) dst(%arg8 : memref<20000xi32, #tpu.memory_space<vmem>>)
    %dma_start3A_153 = arith.constant 0 : i32
    %dma_start3A_154 = tpu.memref_slice %arg10[%dma_start3A_153] : memref<20000xf32, #tpu.memory_space<vmem>> -> memref<5504xf32, #tpu.memory_space<vmem>>
    %dma_start3A_155 = arith.constant 0 : i32
    %dma_start3A_156 = tpu.memref_slice %arg6[%dma_start3A_155] : memref<20000xi32, #tpu.memory_space<vmem>> -> memref<5504xi32, #tpu.memory_space<vmem>>
    %dma_start3A_157 = arith.constant 0 : i32
    %dma_start3A_158 = tpu.memref_slice %arg2[%dma_start3A_157] : memref<100000xf32, #tpu.memory_space<hbm>> -> memref<100000xf32, #tpu.memory_space<hbm>>
    tpu.enqueue_indirect_dma source(%dma_start3A_158 : memref<100000xf32, #tpu.memory_space<hbm>>) target(%dma_start3A_154 : memref<5504xf32, #tpu.memory_space<vmem>>) offsets(%dma_start3A_156 : memref<5504xi32, #tpu.memory_space<vmem>>) semaphore(%arg14 : memref<!tpu.dma_semaphore, #tpu.memory_space<semaphore_mem>>)
    "tpu.region"() ({
      %run_scoped3A = tpu.sem_alloc : memref<!tpu.dma_semaphore, #tpu.memory_space<semaphore_mem>>
      %dma_start3A_289 = arith.constant 5504 : i32
      %dma_start3A_290 = tpu.memref_slice %arg10[%dma_start3A_289] : memref<20000xf32, #tpu.memory_space<vmem>> -> memref<14496xf32, #tpu.memory_space<vmem>>
      %dma_start3A_291 = arith.constant 5504 : i32
      %dma_start3A_292 = tpu.memref_slice %arg6[%dma_start3A_291] : memref<20000xi32, #tpu.memory_space<vmem>> -> memref<14496xi32, #tpu.memory_space<vmem>>
      %dma_start3A_293 = arith.constant 0 : i32
      %dma_start3A_294 = tpu.memref_slice %arg11[%dma_start3A_293] : memref<100000xf32, #tpu.memory_space<vmem_shared>> -> memref<100000xf32, #tpu.memory_space<vmem_shared>>
      tpu.enqueue_indirect_dma source(%dma_start3A_294 : memref<100000xf32, #tpu.memory_space<vmem_shared>>) target(%dma_start3A_290 : memref<14496xf32, #tpu.memory_space<vmem>>) offsets(%dma_start3A_292 : memref<14496xi32, #tpu.memory_space<vmem>>) semaphore(%run_scoped3A : memref<!tpu.dma_semaphore, #tpu.memory_space<semaphore_mem>>)
      %dma_wait3A_295 = arith.constant 5504 : i32
      %dma_wait3A_296 = tpu.memref_slice %arg10[%dma_wait3A_295] : memref<20000xf32, #tpu.memory_space<vmem>> -> memref<14496xf32, #tpu.memory_space<vmem>>
      %dma_wait3A_297 = arith.constant 5504 : i32
      %dma_wait3A_298 = tpu.memref_slice %arg6[%dma_wait3A_297] : memref<20000xi32, #tpu.memory_space<vmem>> -> memref<14496xi32, #tpu.memory_space<vmem>>
      %dma_wait3A_299 = arith.constant 0 : i32
      %dma_wait3A_300 = tpu.memref_slice %arg11[%dma_wait3A_299] : memref<100000xf32, #tpu.memory_space<vmem_shared>> -> memref<100000xf32, #tpu.memory_space<vmem_shared>>
      tpu.wait_indirect_dma semaphore(%run_scoped3A : memref<!tpu.dma_semaphore, #tpu.memory_space<semaphore_mem>>) src(%dma_wait3A_300 : memref<100000xf32, #tpu.memory_space<vmem_shared>>) dst(%dma_wait3A_296 : memref<14496xf32, #tpu.memory_space<vmem>>)
      tpu.yield
    }) : () -> ()
    %dma_wait3A_159 = arith.constant 0 : i32
    %dma_wait3A_160 = tpu.memref_slice %arg10[%dma_wait3A_159] : memref<20000xf32, #tpu.memory_space<vmem>> -> memref<5504xf32, #tpu.memory_space<vmem>>
    %dma_wait3A_161 = arith.constant 0 : i32
    %dma_wait3A_162 = tpu.memref_slice %arg6[%dma_wait3A_161] : memref<20000xi32, #tpu.memory_space<vmem>> -> memref<5504xi32, #tpu.memory_space<vmem>>
    %dma_wait3A_163 = arith.constant 0 : i32
    %dma_wait3A_164 = tpu.memref_slice %arg2[%dma_wait3A_163] : memref<100000xf32, #tpu.memory_space<hbm>> -> memref<100000xf32, #tpu.memory_space<hbm>>
    tpu.wait_indirect_dma semaphore(%arg14 : memref<!tpu.dma_semaphore, #tpu.memory_space<semaphore_mem>>) src(%dma_wait3A_164 : memref<100000xf32, #tpu.memory_space<hbm>>) dst(%dma_wait3A_160 : memref<5504xf32, #tpu.memory_space<vmem>>)
    %dma_wait3A_165 = arith.constant 0 : i32
    %dma_wait3A_166 = tpu.memref_slice %arg12[%dma_wait3A_165] : memref<100000xf32, #tpu.memory_space<vmem_shared>> -> memref<100000xf32, #tpu.memory_space<vmem_shared>>
    tpu.wait_indirect_dma semaphore(%arg15 : memref<!tpu.dma_semaphore, #tpu.memory_space<semaphore_mem>>) src(%arg9 : memref<20000xf32, #tpu.memory_space<vmem>>) dst(%dma_wait3A_166 : memref<100000xf32, #tpu.memory_space<vmem_shared>>)
    %add3A_167 = arith.constant 120000 : i32
    %add3A_168 = arith.addi %mul3A_2, %add3A_167 : i32
    %dma_start3A_169 = tpu.memref_slice %arg4[%add3A_168] : memref<12800000xi32, #tpu.memory_space<hbm>> -> memref<20000xi32, #tpu.memory_space<hbm>>
    %dma_start3A_170 = tpu.memref_slice %arg4[%add3A_168] : memref<12800000xi32, #tpu.memory_space<hbm>> -> memref<20000xi32, #tpu.memory_space<hbm>>
    tpu.enqueue_dma source(%dma_start3A_170 : memref<20000xi32, #tpu.memory_space<hbm>>) target(%arg6 : memref<20000xi32, #tpu.memory_space<vmem>>) target_semaphore(%arg13 : memref<!tpu.dma_semaphore, #tpu.memory_space<semaphore_mem>>)
    %add3A_171 = arith.constant 6400000 : i32
    %add3A_172 = arith.addi %add3A_171, %add3A_168 : i32
    %dma_start3A_173 = tpu.memref_slice %arg4[%add3A_172] : memref<12800000xi32, #tpu.memory_space<hbm>> -> memref<20000xi32, #tpu.memory_space<hbm>>
    %dma_start3A_174 = tpu.memref_slice %arg4[%add3A_172] : memref<12800000xi32, #tpu.memory_space<hbm>> -> memref<20000xi32, #tpu.memory_space<hbm>>
    tpu.enqueue_dma source(%dma_start3A_174 : memref<20000xi32, #tpu.memory_space<hbm>>) target(%arg7 : memref<20000xi32, #tpu.memory_space<vmem>>) target_semaphore(%arg13 : memref<!tpu.dma_semaphore, #tpu.memory_space<semaphore_mem>>)
    %dma_start3A_175 = arith.constant 0 : i32
    %dma_start3A_176 = tpu.memref_slice %arg12[%dma_start3A_175] : memref<100000xf32, #tpu.memory_space<vmem_shared>> -> memref<100000xf32, #tpu.memory_space<vmem_shared>>
    tpu.enqueue_indirect_dma source(%arg10 : memref<20000xf32, #tpu.memory_space<vmem>>) target(%dma_start3A_176 : memref<100000xf32, #tpu.memory_space<vmem_shared>>) offsets(%arg8 : memref<20000xi32, #tpu.memory_space<vmem>>) semaphore(%arg15 : memref<!tpu.dma_semaphore, #tpu.memory_space<semaphore_mem>>) {add = true}
    %dma_wait3A_177 = tpu.memref_slice %arg4[%add3A_168] : memref<12800000xi32, #tpu.memory_space<hbm>> -> memref<20000xi32, #tpu.memory_space<hbm>>
    %dma_wait3A_178 = tpu.memref_slice %arg4[%add3A_168] : memref<12800000xi32, #tpu.memory_space<hbm>> -> memref<20000xi32, #tpu.memory_space<hbm>>
    tpu.wait_dma2 semaphore(%arg13 : memref<!tpu.dma_semaphore, #tpu.memory_space<semaphore_mem>>) src(%dma_wait3A_178 : memref<20000xi32, #tpu.memory_space<hbm>>) dst(%arg6 : memref<20000xi32, #tpu.memory_space<vmem>>)
    %dma_wait3A_179 = tpu.memref_slice %arg4[%add3A_172] : memref<12800000xi32, #tpu.memory_space<hbm>> -> memref<20000xi32, #tpu.memory_space<hbm>>
    %dma_wait3A_180 = tpu.memref_slice %arg4[%add3A_172] : memref<12800000xi32, #tpu.memory_space<hbm>> -> memref<20000xi32, #tpu.memory_space<hbm>>
    tpu.wait_dma2 semaphore(%arg13 : memref<!tpu.dma_semaphore, #tpu.memory_space<semaphore_mem>>) src(%dma_wait3A_180 : memref<20000xi32, #tpu.memory_space<hbm>>) dst(%arg7 : memref<20000xi32, #tpu.memory_space<vmem>>)
    %dma_start3A_181 = arith.constant 0 : i32
    %dma_start3A_182 = tpu.memref_slice %arg9[%dma_start3A_181] : memref<20000xf32, #tpu.memory_space<vmem>> -> memref<5504xf32, #tpu.memory_space<vmem>>
    %dma_start3A_183 = arith.constant 0 : i32
    %dma_start3A_184 = tpu.memref_slice %arg6[%dma_start3A_183] : memref<20000xi32, #tpu.memory_space<vmem>> -> memref<5504xi32, #tpu.memory_space<vmem>>
    %dma_start3A_185 = arith.constant 0 : i32
    %dma_start3A_186 = tpu.memref_slice %arg2[%dma_start3A_185] : memref<100000xf32, #tpu.memory_space<hbm>> -> memref<100000xf32, #tpu.memory_space<hbm>>
    tpu.enqueue_indirect_dma source(%dma_start3A_186 : memref<100000xf32, #tpu.memory_space<hbm>>) target(%dma_start3A_182 : memref<5504xf32, #tpu.memory_space<vmem>>) offsets(%dma_start3A_184 : memref<5504xi32, #tpu.memory_space<vmem>>) semaphore(%arg14 : memref<!tpu.dma_semaphore, #tpu.memory_space<semaphore_mem>>)
    "tpu.region"() ({
      %run_scoped3A = tpu.sem_alloc : memref<!tpu.dma_semaphore, #tpu.memory_space<semaphore_mem>>
      %dma_start3A_289 = arith.constant 5504 : i32
      %dma_start3A_290 = tpu.memref_slice %arg9[%dma_start3A_289] : memref<20000xf32, #tpu.memory_space<vmem>> -> memref<14496xf32, #tpu.memory_space<vmem>>
      %dma_start3A_291 = arith.constant 5504 : i32
      %dma_start3A_292 = tpu.memref_slice %arg6[%dma_start3A_291] : memref<20000xi32, #tpu.memory_space<vmem>> -> memref<14496xi32, #tpu.memory_space<vmem>>
      %dma_start3A_293 = arith.constant 0 : i32
      %dma_start3A_294 = tpu.memref_slice %arg11[%dma_start3A_293] : memref<100000xf32, #tpu.memory_space<vmem_shared>> -> memref<100000xf32, #tpu.memory_space<vmem_shared>>
      tpu.enqueue_indirect_dma source(%dma_start3A_294 : memref<100000xf32, #tpu.memory_space<vmem_shared>>) target(%dma_start3A_290 : memref<14496xf32, #tpu.memory_space<vmem>>) offsets(%dma_start3A_292 : memref<14496xi32, #tpu.memory_space<vmem>>) semaphore(%run_scoped3A : memref<!tpu.dma_semaphore, #tpu.memory_space<semaphore_mem>>)
      %dma_wait3A_295 = arith.constant 5504 : i32
      %dma_wait3A_296 = tpu.memref_slice %arg9[%dma_wait3A_295] : memref<20000xf32, #tpu.memory_space<vmem>> -> memref<14496xf32, #tpu.memory_space<vmem>>
      %dma_wait3A_297 = arith.constant 5504 : i32
      %dma_wait3A_298 = tpu.memref_slice %arg6[%dma_wait3A_297] : memref<20000xi32, #tpu.memory_space<vmem>> -> memref<14496xi32, #tpu.memory_space<vmem>>
      %dma_wait3A_299 = arith.constant 0 : i32
      %dma_wait3A_300 = tpu.memref_slice %arg11[%dma_wait3A_299] : memref<100000xf32, #tpu.memory_space<vmem_shared>> -> memref<100000xf32, #tpu.memory_space<vmem_shared>>
      tpu.wait_indirect_dma semaphore(%run_scoped3A : memref<!tpu.dma_semaphore, #tpu.memory_space<semaphore_mem>>) src(%dma_wait3A_300 : memref<100000xf32, #tpu.memory_space<vmem_shared>>) dst(%dma_wait3A_296 : memref<14496xf32, #tpu.memory_space<vmem>>)
      tpu.yield
    }) : () -> ()
    %dma_wait3A_187 = arith.constant 0 : i32
    %dma_wait3A_188 = tpu.memref_slice %arg9[%dma_wait3A_187] : memref<20000xf32, #tpu.memory_space<vmem>> -> memref<5504xf32, #tpu.memory_space<vmem>>
    %dma_wait3A_189 = arith.constant 0 : i32
    %dma_wait3A_190 = tpu.memref_slice %arg6[%dma_wait3A_189] : memref<20000xi32, #tpu.memory_space<vmem>> -> memref<5504xi32, #tpu.memory_space<vmem>>
    %dma_wait3A_191 = arith.constant 0 : i32
    %dma_wait3A_192 = tpu.memref_slice %arg2[%dma_wait3A_191] : memref<100000xf32, #tpu.memory_space<hbm>> -> memref<100000xf32, #tpu.memory_space<hbm>>
    tpu.wait_indirect_dma semaphore(%arg14 : memref<!tpu.dma_semaphore, #tpu.memory_space<semaphore_mem>>) src(%dma_wait3A_192 : memref<100000xf32, #tpu.memory_space<hbm>>) dst(%dma_wait3A_188 : memref<5504xf32, #tpu.memory_space<vmem>>)
    %dma_wait3A_193 = arith.constant 0 : i32
    %dma_wait3A_194 = tpu.memref_slice %arg12[%dma_wait3A_193] : memref<100000xf32, #tpu.memory_space<vmem_shared>> -> memref<100000xf32, #tpu.memory_space<vmem_shared>>
    tpu.wait_indirect_dma semaphore(%arg15 : memref<!tpu.dma_semaphore, #tpu.memory_space<semaphore_mem>>) src(%arg10 : memref<20000xf32, #tpu.memory_space<vmem>>) dst(%dma_wait3A_194 : memref<100000xf32, #tpu.memory_space<vmem_shared>>)
    %add3A_195 = arith.constant 140000 : i32
    %add3A_196 = arith.addi %mul3A_2, %add3A_195 : i32
    %dma_start3A_197 = tpu.memref_slice %arg4[%add3A_196] : memref<12800000xi32, #tpu.memory_space<hbm>> -> memref<20000xi32, #tpu.memory_space<hbm>>
    %dma_start3A_198 = tpu.memref_slice %arg4[%add3A_196] : memref<12800000xi32, #tpu.memory_space<hbm>> -> memref<20000xi32, #tpu.memory_space<hbm>>
    tpu.enqueue_dma source(%dma_start3A_198 : memref<20000xi32, #tpu.memory_space<hbm>>) target(%arg6 : memref<20000xi32, #tpu.memory_space<vmem>>) target_semaphore(%arg13 : memref<!tpu.dma_semaphore, #tpu.memory_space<semaphore_mem>>)
    %add3A_199 = arith.constant 6400000 : i32
    %add3A_200 = arith.addi %add3A_199, %add3A_196 : i32
    %dma_start3A_201 = tpu.memref_slice %arg4[%add3A_200] : memref<12800000xi32, #tpu.memory_space<hbm>> -> memref<20000xi32, #tpu.memory_space<hbm>>
    %dma_start3A_202 = tpu.memref_slice %arg4[%add3A_200] : memref<12800000xi32, #tpu.memory_space<hbm>> -> memref<20000xi32, #tpu.memory_space<hbm>>
    tpu.enqueue_dma source(%dma_start3A_202 : memref<20000xi32, #tpu.memory_space<hbm>>) target(%arg8 : memref<20000xi32, #tpu.memory_space<vmem>>) target_semaphore(%arg13 : memref<!tpu.dma_semaphore, #tpu.memory_space<semaphore_mem>>)
    %dma_start3A_203 = arith.constant 0 : i32
    %dma_start3A_204 = tpu.memref_slice %arg12[%dma_start3A_203] : memref<100000xf32, #tpu.memory_space<vmem_shared>> -> memref<100000xf32, #tpu.memory_space<vmem_shared>>
    tpu.enqueue_indirect_dma source(%arg9 : memref<20000xf32, #tpu.memory_space<vmem>>) target(%dma_start3A_204 : memref<100000xf32, #tpu.memory_space<vmem_shared>>) offsets(%arg7 : memref<20000xi32, #tpu.memory_space<vmem>>) semaphore(%arg15 : memref<!tpu.dma_semaphore, #tpu.memory_space<semaphore_mem>>) {add = true}
    %dma_wait3A_205 = tpu.memref_slice %arg4[%add3A_196] : memref<12800000xi32, #tpu.memory_space<hbm>> -> memref<20000xi32, #tpu.memory_space<hbm>>
    %dma_wait3A_206 = tpu.memref_slice %arg4[%add3A_196] : memref<12800000xi32, #tpu.memory_space<hbm>> -> memref<20000xi32, #tpu.memory_space<hbm>>
    tpu.wait_dma2 semaphore(%arg13 : memref<!tpu.dma_semaphore, #tpu.memory_space<semaphore_mem>>) src(%dma_wait3A_206 : memref<20000xi32, #tpu.memory_space<hbm>>) dst(%arg6 : memref<20000xi32, #tpu.memory_space<vmem>>)
    %dma_wait3A_207 = tpu.memref_slice %arg4[%add3A_200] : memref<12800000xi32, #tpu.memory_space<hbm>> -> memref<20000xi32, #tpu.memory_space<hbm>>
    %dma_wait3A_208 = tpu.memref_slice %arg4[%add3A_200] : memref<12800000xi32, #tpu.memory_space<hbm>> -> memref<20000xi32, #tpu.memory_space<hbm>>
    tpu.wait_dma2 semaphore(%arg13 : memref<!tpu.dma_semaphore, #tpu.memory_space<semaphore_mem>>) src(%dma_wait3A_208 : memref<20000xi32, #tpu.memory_space<hbm>>) dst(%arg8 : memref<20000xi32, #tpu.memory_space<vmem>>)
    %dma_start3A_209 = arith.constant 0 : i32
    %dma_start3A_210 = tpu.memref_slice %arg10[%dma_start3A_209] : memref<20000xf32, #tpu.memory_space<vmem>> -> memref<5504xf32, #tpu.memory_space<vmem>>
    %dma_start3A_211 = arith.constant 0 : i32
    %dma_start3A_212 = tpu.memref_slice %arg6[%dma_start3A_211] : memref<20000xi32, #tpu.memory_space<vmem>> -> memref<5504xi32, #tpu.memory_space<vmem>>
    %dma_start3A_213 = arith.constant 0 : i32
    %dma_start3A_214 = tpu.memref_slice %arg2[%dma_start3A_213] : memref<100000xf32, #tpu.memory_space<hbm>> -> memref<100000xf32, #tpu.memory_space<hbm>>
    tpu.enqueue_indirect_dma source(%dma_start3A_214 : memref<100000xf32, #tpu.memory_space<hbm>>) target(%dma_start3A_210 : memref<5504xf32, #tpu.memory_space<vmem>>) offsets(%dma_start3A_212 : memref<5504xi32, #tpu.memory_space<vmem>>) semaphore(%arg14 : memref<!tpu.dma_semaphore, #tpu.memory_space<semaphore_mem>>)
    "tpu.region"() ({
      %run_scoped3A = tpu.sem_alloc : memref<!tpu.dma_semaphore, #tpu.memory_space<semaphore_mem>>
      %dma_start3A_289 = arith.constant 5504 : i32
      %dma_start3A_290 = tpu.memref_slice %arg10[%dma_start3A_289] : memref<20000xf32, #tpu.memory_space<vmem>> -> memref<14496xf32, #tpu.memory_space<vmem>>
      %dma_start3A_291 = arith.constant 5504 : i32
      %dma_start3A_292 = tpu.memref_slice %arg6[%dma_start3A_291] : memref<20000xi32, #tpu.memory_space<vmem>> -> memref<14496xi32, #tpu.memory_space<vmem>>
      %dma_start3A_293 = arith.constant 0 : i32
      %dma_start3A_294 = tpu.memref_slice %arg11[%dma_start3A_293] : memref<100000xf32, #tpu.memory_space<vmem_shared>> -> memref<100000xf32, #tpu.memory_space<vmem_shared>>
      tpu.enqueue_indirect_dma source(%dma_start3A_294 : memref<100000xf32, #tpu.memory_space<vmem_shared>>) target(%dma_start3A_290 : memref<14496xf32, #tpu.memory_space<vmem>>) offsets(%dma_start3A_292 : memref<14496xi32, #tpu.memory_space<vmem>>) semaphore(%run_scoped3A : memref<!tpu.dma_semaphore, #tpu.memory_space<semaphore_mem>>)
      %dma_wait3A_295 = arith.constant 5504 : i32
      %dma_wait3A_296 = tpu.memref_slice %arg10[%dma_wait3A_295] : memref<20000xf32, #tpu.memory_space<vmem>> -> memref<14496xf32, #tpu.memory_space<vmem>>
      %dma_wait3A_297 = arith.constant 5504 : i32
      %dma_wait3A_298 = tpu.memref_slice %arg6[%dma_wait3A_297] : memref<20000xi32, #tpu.memory_space<vmem>> -> memref<14496xi32, #tpu.memory_space<vmem>>
      %dma_wait3A_299 = arith.constant 0 : i32
      %dma_wait3A_300 = tpu.memref_slice %arg11[%dma_wait3A_299] : memref<100000xf32, #tpu.memory_space<vmem_shared>> -> memref<100000xf32, #tpu.memory_space<vmem_shared>>
      tpu.wait_indirect_dma semaphore(%run_scoped3A : memref<!tpu.dma_semaphore, #tpu.memory_space<semaphore_mem>>) src(%dma_wait3A_300 : memref<100000xf32, #tpu.memory_space<vmem_shared>>) dst(%dma_wait3A_296 : memref<14496xf32, #tpu.memory_space<vmem>>)
      tpu.yield
    }) : () -> ()
    %dma_wait3A_215 = arith.constant 0 : i32
    %dma_wait3A_216 = tpu.memref_slice %arg10[%dma_wait3A_215] : memref<20000xf32, #tpu.memory_space<vmem>> -> memref<5504xf32, #tpu.memory_space<vmem>>
    %dma_wait3A_217 = arith.constant 0 : i32
    %dma_wait3A_218 = tpu.memref_slice %arg6[%dma_wait3A_217] : memref<20000xi32, #tpu.memory_space<vmem>> -> memref<5504xi32, #tpu.memory_space<vmem>>
    %dma_wait3A_219 = arith.constant 0 : i32
    %dma_wait3A_220 = tpu.memref_slice %arg2[%dma_wait3A_219] : memref<100000xf32, #tpu.memory_space<hbm>> -> memref<100000xf32, #tpu.memory_space<hbm>>
    tpu.wait_indirect_dma semaphore(%arg14 : memref<!tpu.dma_semaphore, #tpu.memory_space<semaphore_mem>>) src(%dma_wait3A_220 : memref<100000xf32, #tpu.memory_space<hbm>>) dst(%dma_wait3A_216 : memref<5504xf32, #tpu.memory_space<vmem>>)
    %dma_wait3A_221 = arith.constant 0 : i32
    %dma_wait3A_222 = tpu.memref_slice %arg12[%dma_wait3A_221] : memref<100000xf32, #tpu.memory_space<vmem_shared>> -> memref<100000xf32, #tpu.memory_space<vmem_shared>>
    tpu.wait_indirect_dma semaphore(%arg15 : memref<!tpu.dma_semaphore, #tpu.memory_space<semaphore_mem>>) src(%arg9 : memref<20000xf32, #tpu.memory_space<vmem>>) dst(%dma_wait3A_222 : memref<100000xf32, #tpu.memory_space<vmem_shared>>)
    %add3A_223 = arith.constant 160000 : i32
    %add3A_224 = arith.addi %mul3A_2, %add3A_223 : i32
    %dma_start3A_225 = tpu.memref_slice %arg4[%add3A_224] : memref<12800000xi32, #tpu.memory_space<hbm>> -> memref<20000xi32, #tpu.memory_space<hbm>>
    %dma_start3A_226 = tpu.memref_slice %arg4[%add3A_224] : memref<12800000xi32, #tpu.memory_space<hbm>> -> memref<20000xi32, #tpu.memory_space<hbm>>
    tpu.enqueue_dma source(%dma_start3A_226 : memref<20000xi32, #tpu.memory_space<hbm>>) target(%arg6 : memref<20000xi32, #tpu.memory_space<vmem>>) target_semaphore(%arg13 : memref<!tpu.dma_semaphore, #tpu.memory_space<semaphore_mem>>)
    %add3A_227 = arith.constant 6400000 : i32
    %add3A_228 = arith.addi %add3A_227, %add3A_224 : i32
    %dma_start3A_229 = tpu.memref_slice %arg4[%add3A_228] : memref<12800000xi32, #tpu.memory_space<hbm>> -> memref<20000xi32, #tpu.memory_space<hbm>>
    %dma_start3A_230 = tpu.memref_slice %arg4[%add3A_228] : memref<12800000xi32, #tpu.memory_space<hbm>> -> memref<20000xi32, #tpu.memory_space<hbm>>
    tpu.enqueue_dma source(%dma_start3A_230 : memref<20000xi32, #tpu.memory_space<hbm>>) target(%arg7 : memref<20000xi32, #tpu.memory_space<vmem>>) target_semaphore(%arg13 : memref<!tpu.dma_semaphore, #tpu.memory_space<semaphore_mem>>)
    %dma_start3A_231 = arith.constant 0 : i32
    %dma_start3A_232 = tpu.memref_slice %arg12[%dma_start3A_231] : memref<100000xf32, #tpu.memory_space<vmem_shared>> -> memref<100000xf32, #tpu.memory_space<vmem_shared>>
    tpu.enqueue_indirect_dma source(%arg10 : memref<20000xf32, #tpu.memory_space<vmem>>) target(%dma_start3A_232 : memref<100000xf32, #tpu.memory_space<vmem_shared>>) offsets(%arg8 : memref<20000xi32, #tpu.memory_space<vmem>>) semaphore(%arg15 : memref<!tpu.dma_semaphore, #tpu.memory_space<semaphore_mem>>) {add = true}
    %dma_wait3A_233 = tpu.memref_slice %arg4[%add3A_224] : memref<12800000xi32, #tpu.memory_space<hbm>> -> memref<20000xi32, #tpu.memory_space<hbm>>
    %dma_wait3A_234 = tpu.memref_slice %arg4[%add3A_224] : memref<12800000xi32, #tpu.memory_space<hbm>> -> memref<20000xi32, #tpu.memory_space<hbm>>
    tpu.wait_dma2 semaphore(%arg13 : memref<!tpu.dma_semaphore, #tpu.memory_space<semaphore_mem>>) src(%dma_wait3A_234 : memref<20000xi32, #tpu.memory_space<hbm>>) dst(%arg6 : memref<20000xi32, #tpu.memory_space<vmem>>)
    %dma_wait3A_235 = tpu.memref_slice %arg4[%add3A_228] : memref<12800000xi32, #tpu.memory_space<hbm>> -> memref<20000xi32, #tpu.memory_space<hbm>>
    %dma_wait3A_236 = tpu.memref_slice %arg4[%add3A_228] : memref<12800000xi32, #tpu.memory_space<hbm>> -> memref<20000xi32, #tpu.memory_space<hbm>>
    tpu.wait_dma2 semaphore(%arg13 : memref<!tpu.dma_semaphore, #tpu.memory_space<semaphore_mem>>) src(%dma_wait3A_236 : memref<20000xi32, #tpu.memory_space<hbm>>) dst(%arg7 : memref<20000xi32, #tpu.memory_space<vmem>>)
    %dma_start3A_237 = arith.constant 0 : i32
    %dma_start3A_238 = tpu.memref_slice %arg9[%dma_start3A_237] : memref<20000xf32, #tpu.memory_space<vmem>> -> memref<5504xf32, #tpu.memory_space<vmem>>
    %dma_start3A_239 = arith.constant 0 : i32
    %dma_start3A_240 = tpu.memref_slice %arg6[%dma_start3A_239] : memref<20000xi32, #tpu.memory_space<vmem>> -> memref<5504xi32, #tpu.memory_space<vmem>>
    %dma_start3A_241 = arith.constant 0 : i32
    %dma_start3A_242 = tpu.memref_slice %arg2[%dma_start3A_241] : memref<100000xf32, #tpu.memory_space<hbm>> -> memref<100000xf32, #tpu.memory_space<hbm>>
    tpu.enqueue_indirect_dma source(%dma_start3A_242 : memref<100000xf32, #tpu.memory_space<hbm>>) target(%dma_start3A_238 : memref<5504xf32, #tpu.memory_space<vmem>>) offsets(%dma_start3A_240 : memref<5504xi32, #tpu.memory_space<vmem>>) semaphore(%arg14 : memref<!tpu.dma_semaphore, #tpu.memory_space<semaphore_mem>>)
    "tpu.region"() ({
      %run_scoped3A = tpu.sem_alloc : memref<!tpu.dma_semaphore, #tpu.memory_space<semaphore_mem>>
      %dma_start3A_289 = arith.constant 5504 : i32
      %dma_start3A_290 = tpu.memref_slice %arg9[%dma_start3A_289] : memref<20000xf32, #tpu.memory_space<vmem>> -> memref<14496xf32, #tpu.memory_space<vmem>>
      %dma_start3A_291 = arith.constant 5504 : i32
      %dma_start3A_292 = tpu.memref_slice %arg6[%dma_start3A_291] : memref<20000xi32, #tpu.memory_space<vmem>> -> memref<14496xi32, #tpu.memory_space<vmem>>
      %dma_start3A_293 = arith.constant 0 : i32
      %dma_start3A_294 = tpu.memref_slice %arg11[%dma_start3A_293] : memref<100000xf32, #tpu.memory_space<vmem_shared>> -> memref<100000xf32, #tpu.memory_space<vmem_shared>>
      tpu.enqueue_indirect_dma source(%dma_start3A_294 : memref<100000xf32, #tpu.memory_space<vmem_shared>>) target(%dma_start3A_290 : memref<14496xf32, #tpu.memory_space<vmem>>) offsets(%dma_start3A_292 : memref<14496xi32, #tpu.memory_space<vmem>>) semaphore(%run_scoped3A : memref<!tpu.dma_semaphore, #tpu.memory_space<semaphore_mem>>)
      %dma_wait3A_295 = arith.constant 5504 : i32
      %dma_wait3A_296 = tpu.memref_slice %arg9[%dma_wait3A_295] : memref<20000xf32, #tpu.memory_space<vmem>> -> memref<14496xf32, #tpu.memory_space<vmem>>
      %dma_wait3A_297 = arith.constant 5504 : i32
      %dma_wait3A_298 = tpu.memref_slice %arg6[%dma_wait3A_297] : memref<20000xi32, #tpu.memory_space<vmem>> -> memref<14496xi32, #tpu.memory_space<vmem>>
      %dma_wait3A_299 = arith.constant 0 : i32
      %dma_wait3A_300 = tpu.memref_slice %arg11[%dma_wait3A_299] : memref<100000xf32, #tpu.memory_space<vmem_shared>> -> memref<100000xf32, #tpu.memory_space<vmem_shared>>
      tpu.wait_indirect_dma semaphore(%run_scoped3A : memref<!tpu.dma_semaphore, #tpu.memory_space<semaphore_mem>>) src(%dma_wait3A_300 : memref<100000xf32, #tpu.memory_space<vmem_shared>>) dst(%dma_wait3A_296 : memref<14496xf32, #tpu.memory_space<vmem>>)
      tpu.yield
    }) : () -> ()
    %dma_wait3A_243 = arith.constant 0 : i32
    %dma_wait3A_244 = tpu.memref_slice %arg9[%dma_wait3A_243] : memref<20000xf32, #tpu.memory_space<vmem>> -> memref<5504xf32, #tpu.memory_space<vmem>>
    %dma_wait3A_245 = arith.constant 0 : i32
    %dma_wait3A_246 = tpu.memref_slice %arg6[%dma_wait3A_245] : memref<20000xi32, #tpu.memory_space<vmem>> -> memref<5504xi32, #tpu.memory_space<vmem>>
    %dma_wait3A_247 = arith.constant 0 : i32
    %dma_wait3A_248 = tpu.memref_slice %arg2[%dma_wait3A_247] : memref<100000xf32, #tpu.memory_space<hbm>> -> memref<100000xf32, #tpu.memory_space<hbm>>
    tpu.wait_indirect_dma semaphore(%arg14 : memref<!tpu.dma_semaphore, #tpu.memory_space<semaphore_mem>>) src(%dma_wait3A_248 : memref<100000xf32, #tpu.memory_space<hbm>>) dst(%dma_wait3A_244 : memref<5504xf32, #tpu.memory_space<vmem>>)
    %dma_wait3A_249 = arith.constant 0 : i32
    %dma_wait3A_250 = tpu.memref_slice %arg12[%dma_wait3A_249] : memref<100000xf32, #tpu.memory_space<vmem_shared>> -> memref<100000xf32, #tpu.memory_space<vmem_shared>>
    tpu.wait_indirect_dma semaphore(%arg15 : memref<!tpu.dma_semaphore, #tpu.memory_space<semaphore_mem>>) src(%arg10 : memref<20000xf32, #tpu.memory_space<vmem>>) dst(%dma_wait3A_250 : memref<100000xf32, #tpu.memory_space<vmem_shared>>)
    %add3A_251 = arith.constant 180000 : i32
    %add3A_252 = arith.addi %mul3A_2, %add3A_251 : i32
    %dma_start3A_253 = tpu.memref_slice %arg4[%add3A_252] : memref<12800000xi32, #tpu.memory_space<hbm>> -> memref<20000xi32, #tpu.memory_space<hbm>>
    %dma_start3A_254 = tpu.memref_slice %arg4[%add3A_252] : memref<12800000xi32, #tpu.memory_space<hbm>> -> memref<20000xi32, #tpu.memory_space<hbm>>
    tpu.enqueue_dma source(%dma_start3A_254 : memref<20000xi32, #tpu.memory_space<hbm>>) target(%arg6 : memref<20000xi32, #tpu.memory_space<vmem>>) target_semaphore(%arg13 : memref<!tpu.dma_semaphore, #tpu.memory_space<semaphore_mem>>)
    %add3A_255 = arith.constant 6400000 : i32
    %add3A_256 = arith.addi %add3A_255, %add3A_252 : i32
    %dma_start3A_257 = tpu.memref_slice %arg4[%add3A_256] : memref<12800000xi32, #tpu.memory_space<hbm>> -> memref<20000xi32, #tpu.memory_space<hbm>>
    %dma_start3A_258 = tpu.memref_slice %arg4[%add3A_256] : memref<12800000xi32, #tpu.memory_space<hbm>> -> memref<20000xi32, #tpu.memory_space<hbm>>
    tpu.enqueue_dma source(%dma_start3A_258 : memref<20000xi32, #tpu.memory_space<hbm>>) target(%arg8 : memref<20000xi32, #tpu.memory_space<vmem>>) target_semaphore(%arg13 : memref<!tpu.dma_semaphore, #tpu.memory_space<semaphore_mem>>)
    %dma_start3A_259 = arith.constant 0 : i32
    %dma_start3A_260 = tpu.memref_slice %arg12[%dma_start3A_259] : memref<100000xf32, #tpu.memory_space<vmem_shared>> -> memref<100000xf32, #tpu.memory_space<vmem_shared>>
    tpu.enqueue_indirect_dma source(%arg9 : memref<20000xf32, #tpu.memory_space<vmem>>) target(%dma_start3A_260 : memref<100000xf32, #tpu.memory_space<vmem_shared>>) offsets(%arg7 : memref<20000xi32, #tpu.memory_space<vmem>>) semaphore(%arg15 : memref<!tpu.dma_semaphore, #tpu.memory_space<semaphore_mem>>) {add = true}
    %dma_wait3A_261 = tpu.memref_slice %arg4[%add3A_252] : memref<12800000xi32, #tpu.memory_space<hbm>> -> memref<20000xi32, #tpu.memory_space<hbm>>
    %dma_wait3A_262 = tpu.memref_slice %arg4[%add3A_252] : memref<12800000xi32, #tpu.memory_space<hbm>> -> memref<20000xi32, #tpu.memory_space<hbm>>
    tpu.wait_dma2 semaphore(%arg13 : memref<!tpu.dma_semaphore, #tpu.memory_space<semaphore_mem>>) src(%dma_wait3A_262 : memref<20000xi32, #tpu.memory_space<hbm>>) dst(%arg6 : memref<20000xi32, #tpu.memory_space<vmem>>)
    %dma_wait3A_263 = tpu.memref_slice %arg4[%add3A_256] : memref<12800000xi32, #tpu.memory_space<hbm>> -> memref<20000xi32, #tpu.memory_space<hbm>>
    %dma_wait3A_264 = tpu.memref_slice %arg4[%add3A_256] : memref<12800000xi32, #tpu.memory_space<hbm>> -> memref<20000xi32, #tpu.memory_space<hbm>>
    tpu.wait_dma2 semaphore(%arg13 : memref<!tpu.dma_semaphore, #tpu.memory_space<semaphore_mem>>) src(%dma_wait3A_264 : memref<20000xi32, #tpu.memory_space<hbm>>) dst(%arg8 : memref<20000xi32, #tpu.memory_space<vmem>>)
    %dma_start3A_265 = arith.constant 0 : i32
    %dma_start3A_266 = tpu.memref_slice %arg10[%dma_start3A_265] : memref<20000xf32, #tpu.memory_space<vmem>> -> memref<5504xf32, #tpu.memory_space<vmem>>
    %dma_start3A_267 = arith.constant 0 : i32
    %dma_start3A_268 = tpu.memref_slice %arg6[%dma_start3A_267] : memref<20000xi32, #tpu.memory_space<vmem>> -> memref<5504xi32, #tpu.memory_space<vmem>>
    %dma_start3A_269 = arith.constant 0 : i32
    %dma_start3A_270 = tpu.memref_slice %arg2[%dma_start3A_269] : memref<100000xf32, #tpu.memory_space<hbm>> -> memref<100000xf32, #tpu.memory_space<hbm>>
    tpu.enqueue_indirect_dma source(%dma_start3A_270 : memref<100000xf32, #tpu.memory_space<hbm>>) target(%dma_start3A_266 : memref<5504xf32, #tpu.memory_space<vmem>>) offsets(%dma_start3A_268 : memref<5504xi32, #tpu.memory_space<vmem>>) semaphore(%arg14 : memref<!tpu.dma_semaphore, #tpu.memory_space<semaphore_mem>>)
    "tpu.region"() ({
      %run_scoped3A = tpu.sem_alloc : memref<!tpu.dma_semaphore, #tpu.memory_space<semaphore_mem>>
      %dma_start3A_289 = arith.constant 5504 : i32
      %dma_start3A_290 = tpu.memref_slice %arg10[%dma_start3A_289] : memref<20000xf32, #tpu.memory_space<vmem>> -> memref<14496xf32, #tpu.memory_space<vmem>>
      %dma_start3A_291 = arith.constant 5504 : i32
      %dma_start3A_292 = tpu.memref_slice %arg6[%dma_start3A_291] : memref<20000xi32, #tpu.memory_space<vmem>> -> memref<14496xi32, #tpu.memory_space<vmem>>
      %dma_start3A_293 = arith.constant 0 : i32
      %dma_start3A_294 = tpu.memref_slice %arg11[%dma_start3A_293] : memref<100000xf32, #tpu.memory_space<vmem_shared>> -> memref<100000xf32, #tpu.memory_space<vmem_shared>>
      tpu.enqueue_indirect_dma source(%dma_start3A_294 : memref<100000xf32, #tpu.memory_space<vmem_shared>>) target(%dma_start3A_290 : memref<14496xf32, #tpu.memory_space<vmem>>) offsets(%dma_start3A_292 : memref<14496xi32, #tpu.memory_space<vmem>>) semaphore(%run_scoped3A : memref<!tpu.dma_semaphore, #tpu.memory_space<semaphore_mem>>)
      %dma_wait3A_295 = arith.constant 5504 : i32
      %dma_wait3A_296 = tpu.memref_slice %arg10[%dma_wait3A_295] : memref<20000xf32, #tpu.memory_space<vmem>> -> memref<14496xf32, #tpu.memory_space<vmem>>
      %dma_wait3A_297 = arith.constant 5504 : i32
      %dma_wait3A_298 = tpu.memref_slice %arg6[%dma_wait3A_297] : memref<20000xi32, #tpu.memory_space<vmem>> -> memref<14496xi32, #tpu.memory_space<vmem>>
      %dma_wait3A_299 = arith.constant 0 : i32
      %dma_wait3A_300 = tpu.memref_slice %arg11[%dma_wait3A_299] : memref<100000xf32, #tpu.memory_space<vmem_shared>> -> memref<100000xf32, #tpu.memory_space<vmem_shared>>
      tpu.wait_indirect_dma semaphore(%run_scoped3A : memref<!tpu.dma_semaphore, #tpu.memory_space<semaphore_mem>>) src(%dma_wait3A_300 : memref<100000xf32, #tpu.memory_space<vmem_shared>>) dst(%dma_wait3A_296 : memref<14496xf32, #tpu.memory_space<vmem>>)
      tpu.yield
    }) : () -> ()
    %dma_wait3A_271 = arith.constant 0 : i32
    %dma_wait3A_272 = tpu.memref_slice %arg10[%dma_wait3A_271] : memref<20000xf32, #tpu.memory_space<vmem>> -> memref<5504xf32, #tpu.memory_space<vmem>>
    %dma_wait3A_273 = arith.constant 0 : i32
    %dma_wait3A_274 = tpu.memref_slice %arg6[%dma_wait3A_273] : memref<20000xi32, #tpu.memory_space<vmem>> -> memref<5504xi32, #tpu.memory_space<vmem>>
    %dma_wait3A_275 = arith.constant 0 : i32
    %dma_wait3A_276 = tpu.memref_slice %arg2[%dma_wait3A_275] : memref<100000xf32, #tpu.memory_space<hbm>> -> memref<100000xf32, #tpu.memory_space<hbm>>
    tpu.wait_indirect_dma semaphore(%arg14 : memref<!tpu.dma_semaphore, #tpu.memory_space<semaphore_mem>>) src(%dma_wait3A_276 : memref<100000xf32, #tpu.memory_space<hbm>>) dst(%dma_wait3A_272 : memref<5504xf32, #tpu.memory_space<vmem>>)
    %dma_wait3A_277 = arith.constant 0 : i32
    %dma_wait3A_278 = tpu.memref_slice %arg12[%dma_wait3A_277] : memref<100000xf32, #tpu.memory_space<vmem_shared>> -> memref<100000xf32, #tpu.memory_space<vmem_shared>>
    tpu.wait_indirect_dma semaphore(%arg15 : memref<!tpu.dma_semaphore, #tpu.memory_space<semaphore_mem>>) src(%arg9 : memref<20000xf32, #tpu.memory_space<vmem>>) dst(%dma_wait3A_278 : memref<100000xf32, #tpu.memory_space<vmem_shared>>)
    %dma_start3A_279 = arith.constant 0 : i32
    %dma_start3A_280 = tpu.memref_slice %arg12[%dma_start3A_279] : memref<100000xf32, #tpu.memory_space<vmem_shared>> -> memref<100000xf32, #tpu.memory_space<vmem_shared>>
    tpu.enqueue_indirect_dma source(%arg10 : memref<20000xf32, #tpu.memory_space<vmem>>) target(%dma_start3A_280 : memref<100000xf32, #tpu.memory_space<vmem_shared>>) offsets(%arg8 : memref<20000xi32, #tpu.memory_space<vmem>>) semaphore(%arg15 : memref<!tpu.dma_semaphore, #tpu.memory_space<semaphore_mem>>) {add = true}
    %dma_wait3A_281 = arith.constant 0 : i32
    %dma_wait3A_282 = tpu.memref_slice %arg12[%dma_wait3A_281] : memref<100000xf32, #tpu.memory_space<vmem_shared>> -> memref<100000xf32, #tpu.memory_space<vmem_shared>>
    tpu.wait_indirect_dma semaphore(%arg15 : memref<!tpu.dma_semaphore, #tpu.memory_space<semaphore_mem>>) src(%arg10 : memref<20000xf32, #tpu.memory_space<vmem>>) dst(%dma_wait3A_282 : memref<100000xf32, #tpu.memory_space<vmem_shared>>)
    %barrier3A_283 = arith.constant 0 : index
    tpu.barrier barrier_id(%barrier3A_283)
    %eq3A_284 = arith.constant 0 : i32
    %eq3A_285 = arith.cmpi eq, %arg1, %eq3A_284 : i32
    %convert_element_type3A_286 = arith.extui %eq3A_285 : i1 to i32
    %cond3A_287 = arith.constant 0 : i32
    %cond3A_288 = arith.cmpi ne, %convert_element_type3A_286, %cond3A_287 : i32
    scf.if %cond3A_288 {
      "tpu.region"() ({
        %run_scoped3A = tpu.sem_alloc : memref<!tpu.dma_semaphore, #tpu.memory_space<semaphore_mem>>
        %dma_start3A_289 = arith.constant 0 : i32
        %dma_start3A_290 = tpu.memref_slice %arg5[%arg0, %dma_start3A_289] : memref<2x100000xf32, #tpu.memory_space<hbm>> -> memref<1x100000xf32, #tpu.memory_space<hbm>>
        %dma_start3A_291 = tpu.memref_squeeze %dma_start3A_290 : memref<1x100000xf32, #tpu.memory_space<hbm>> -> memref<100000xf32, #tpu.memory_space<hbm>>
        tpu.enqueue_dma source(%arg12 : memref<100000xf32, #tpu.memory_space<vmem_shared>>) target(%dma_start3A_291 : memref<100000xf32, #tpu.memory_space<hbm>>) target_semaphore(%run_scoped3A : memref<!tpu.dma_semaphore, #tpu.memory_space<semaphore_mem>>)
        %dma_wait3A_292 = arith.constant 0 : i32
        %dma_wait3A_293 = tpu.memref_slice %arg5[%arg0, %dma_wait3A_292] : memref<2x100000xf32, #tpu.memory_space<hbm>> -> memref<1x100000xf32, #tpu.memory_space<hbm>>
        %dma_wait3A_294 = tpu.memref_squeeze %dma_wait3A_293 : memref<1x100000xf32, #tpu.memory_space<hbm>> -> memref<100000xf32, #tpu.memory_space<hbm>>
        tpu.wait_dma2 semaphore(%run_scoped3A : memref<!tpu.dma_semaphore, #tpu.memory_space<semaphore_mem>>) src(%arg12 : memref<100000xf32, #tpu.memory_space<vmem_shared>>) dst(%dma_wait3A_294 : memref<100000xf32, #tpu.memory_space<hbm>>)
        tpu.yield
      }) : () -> ()
    } else {
    }
    return
  }
}

module attributes {stable_mosaic.version = 14 : i64} {
  func.func @_apply_body(%arg0: memref<2x100000xf32, #tpu.memory_space<vmem>>, %arg1: memref<100000xf32, #tpu.memory_space<vmem>>, %arg2: memref<100000xf32, #tpu.memory_space<vmem>>) attributes {dimension_semantics = [], scalar_prefetch = 0 : i64, scratch_operands = 0 : i64, tpu.core_type = #tpu.core_type<tc>} {
    %get3A = arith.constant 0 : index
    %get3A_0 = arith.constant 0 : index
    %get3A_1 = vector.load %arg0[%get3A, %get3A_0] : memref<2x100000xf32, #tpu.memory_space<vmem>>, vector<1x100000xf32>
    %get3A_2 = vector.shape_cast %get3A_1 : vector<1x100000xf32> to vector<100000xf32>
    %get3A_3 = arith.constant 1 : index
    %get3A_4 = arith.constant 0 : index
    %get3A_5 = vector.load %arg0[%get3A_3, %get3A_4] : memref<2x100000xf32, #tpu.memory_space<vmem>>, vector<1x100000xf32>
    %get3A_6 = vector.shape_cast %get3A_5 : vector<1x100000xf32> to vector<100000xf32>
    %add3A = arith.addf %get3A_2, %get3A_6 : vector<100000xf32>
    %sub3A = arith.constant 1.000000e+00 : f32
    %sub3A_7 = vector.broadcast %sub3A : f32 to vector<100000xf32>
    %sub3A_8 = arith.subf %add3A, %sub3A_7 : vector<100000xf32>
    %mul3A = arith.mulf %sub3A_8, %sub3A_8 : vector<100000xf32>
    %get3A_9 = arith.constant 0 : index
    %get3A_10 = vector.load %arg1[%get3A_9] : memref<100000xf32, #tpu.memory_space<vmem>>, vector<100000xf32>
    %mul3A_11 = arith.mulf %mul3A, %get3A_10 : vector<100000xf32>
    %swap3A = arith.constant 0 : index
    %swap3A_12 = vector.load %arg2[%swap3A] : memref<100000xf32, #tpu.memory_space<vmem>>, vector<100000xf32>
    tpu.vector_store %arg2[%swap3A], %mul3A_11 {strides = array<i32>} : memref<100000xf32, #tpu.memory_space<vmem>>, vector<100000xf32>,
    return
  }
}

</mosaic_0001>

<sc_bundles>
// kernel: kernel.4.cloned.1.call-start
scs
__scs_entry_jumppad:
0x0: {  	(pc) =	sbr.rel $0x88, $3  }
0x1: {  	(tag) =	ssettag $0x0;
	lr =	simm.s32 $0x1  }
0x2: {  	[smem:$0x3F9E] =	sst lr;
	_ =	strace $0xD0000000  }
0x3: {  	_ = 	snop  }
0x4: {  	_ = 	snop  }
0x5: {  	_ = 	snop  }
0x6: {  	_ = 	snop  }
0x7: {  	_ = 	snop  }
__scs_overlays_trampoline_lowered:
0x8: {  	[smem:$0x3FAD] =	sst s0  }
0x9: {  	[smem:$0x3FAE] =	sst s1  }
0xa: {  	[smem:$0x3FAF] =	sst s2  }
0xb: {  	[smem:$0x3FB0] =	sst s3  }
0xc: {  	[smem:$0x3FB1] =	sst s4  }
0xd: {  	[smem:$0x3FB2] =	sst s5  }
0xe: {  	[smem:$0x3FB3] =	sst s6  }
0xf: {  	[smem:$0x3FB4] =	sst s7  }
0x10: {  	[smem:$0x3FB5] =	sst s8  }
0x11: {  	[smem:$0x3FB6] =	sst s9;
	s0 =	simm.s32 @!p0 $0x0  }
0x12: {  	s1 =	sld [smem:$0x3F9C];
	s0 =	simm.s32 @p0 $0x1  }
0x13: {  	[smem:$0x3FB7] =	sst s0;
	s0 =	simm.s32 @!p1 $0x0  }
0x14: {  	s2 =	sld [smem:$0x3F9B];
	s0 =	simm.s32 @p1 $0x1  }
0x15: {  	[smem:$0x3FB8] =	sst s0;
	s0 =	simm.s32 @!p2 $0x0  }
0x16: {  	s3 =	sld [smem:$0x3FDB];
	s0 =	simm.s32 @p2 $0x1  }
0x17: {  	s4 =	simm.s32 $0x1BF5;
	[smem:$0x3FBA] =	sst s0  }
0x18: {  	s0 =	sld [smem:$0x3F9D];
	_ =	swait.ge [sflag:s4], $0x0  }
0x19: {  	s7 =	sld [smem:$0x3F9E]  }
0x1a: {  	s8 =	sadd.s32 $0xFFFFE003, lr  }
0x1b: {  	s9 =	sadd.s32 $0xFFFFFEF7, lr;
	s5 =	simm.s32 $0xFFFFFFFF;
	p2 =	slt.u32 s8, $0xFFFFF086  }
0x1c: {  	p1 =	slt.u32 s9, $0xF7A;
	s5 =	simm.s32 @!p2 $0x0  }
0x1d: {  	s5 =	simm.s32 @p1 $0x1;
	p0 =	seq.s32 s7, s2  }
0x1e: {  	s7 =	smul.u32 @!p0 $0xF7A, s2;
	p2 =	seq.s32 @!p0 s5, $0x0  }
0x1f: {  	s9 =	smul.u32 $0xF7A, s1;
	s8 =	simm.s32 @!p0 $0x1BF5;
	p2 =	por !p2, p0  }
0x20: {  	[sflag:s8] =	ssyncset.s32 @!p0 $0xFFFFF086;
	s6 =	sadd.s32 @!p0 s3, s7;
	s7 =	simm.s32 @!p0 $0x108  }
0x21: {  	s3 =	sadd.s32 s3, s9;
	s6 =	sadd.s32 @!p0 $0x88, s6;
	s7 =	simm.s32 @p2 $0x1082  }
0x22: {  	[simem:s7], [sflag:s8] =	dma.local @!p0 [hbm:s6], $0xF7A  }
0x23: {  	s9 =	sor.u32 $0xD0000000, s2;
	s6 =	simm.s32 $0x108;
	_ =	swait.ge @!p0 [sflag:s8], $0x0  }
0x24: {  	s3 =	sadd.s32 $0x88, s3;
	s6 =	simm.s32 @!p1 $0x1082;
	[sflag:s4] =	ssyncset.s32 $0xFFFFF086  }
0x25: {  	[simem:s6], [sflag:s4] =	dma.local [hbm:s3], $0xF7A  }
0x26: {  	[smem:$0x3F9E] =	sst s1;
	(tag) =	ssettag s2;
	_ =	strace s9  }
0x27: {  	s1 =	sld [smem:$0x3FAE]  }
0x28: {  	s2 =	sld [smem:$0x3FAF]  }
0x29: {  	s4 =	sld [smem:$0x3FB1]  }
0x2a: {  	p0 =	seq.s32 s5, $0x0;
	s5 =	sld [smem:$0x3FB2]  }
0x2b: {  	s6 =	sld [smem:$0x3FB3]  }
0x2c: {  	s7 =	sld [smem:$0x3FB4]  }
0x2d: {  	s3 =	simm.s32 $0x108;
	s8 =	sld [smem:$0x3FB5]  }
0x2e: {  	s3 =	simm.s32 @!p0 $0x1082;
	s9 =	sld [smem:$0x3FB6]  }
0x2f: {  	lr =	sadd.s32 s0, s3;
	s0 =	sld [smem:$0x3FAD]  }
0x30: {  	s3 =	sld [smem:$0x3FB0]  }
0x31: {  	[smem:$0x3FB9] =	sst s10  }
0x32: {  	s10 =	sld [smem:$0x3FB7];
	_ =	sdelay $0x3  }
0x33: {  	p0 =	seq.s32 s10, $0x1;
	s10 =	sld [smem:$0x3FB9];
	_ =	sdelay $0x3  }
0x34: {  	[smem:$0x3FB9] =	sst s10  }
0x35: {  	s10 =	sld [smem:$0x3FB8];
	_ =	sdelay $0x3  }
0x36: {  	p1 =	seq.s32 s10, $0x1;
	s10 =	sld [smem:$0x3FB9];
	_ =	sdelay $0x3  }
0x37: {  	[smem:$0x3FB9] =	sst s10  }
0x38: {  	s10 =	sld [smem:$0x3FBA]  }
0x39: {  	_ = 	snop;
	(pc) =	sbr.ind lr, $3  }
0x3a: {  	_ = 	snop  }
0x3b: {  	_ = 	snop  }
0x3c: {  	p2 =	seq.s32 s10, $0x1;
	s10 =	sld [smem:$0x3FB9]  }
0x3d: {  	_ =	shalt  }
0x3e: {  	_ =	shalt  }
0x3f: {  	_ =	shalt  }
0x40: {  	_ =	shalt  }
0x41: {  	_ =	shalt  }
0x42: {  	_ =	shalt  }
0x43: {  	_ =	shalt  }
0x44: {  	_ =	shalt  }
0x45: {  	_ =	shalt  }
0x46: {  	_ =	shalt  }
0x47: {  	_ =	shalt  }
0x48: {  	_ =	shalt  }
0x49: {  	_ =	shalt  }
0x4a: {  	_ =	shalt  }
0x4b: {  	_ =	shalt  }
0x4c: {  	_ =	shalt  }
0x4d: {  	_ =	shalt  }
0x4e: {  	_ =	shalt  }
0x4f: {  	_ =	shalt  }
0x50: {  	_ =	shalt  }
0x51: {  	_ =	shalt  }
0x52: {  	_ =	shalt  }
0x53: {  	_ =	shalt  }
0x54: {  	_ =	shalt  }
0x55: {  	_ =	shalt  }
0x56: {  	_ =	shalt  }
0x57: {  	_ =	shalt  }
0x58: {  	_ =	shalt  }
0x59: {  	_ =	shalt  }
0x5a: {  	_ =	shalt  }
0x5b: {  	_ =	shalt  }
0x5c: {  	_ =	shalt  }
0x5d: {  	_ =	shalt  }
0x5e: {  	_ =	shalt  }
0x5f: {  	_ =	shalt  }
0x60: {  	_ =	shalt  }
0x61: {  	_ =	shalt  }
0x62: {  	_ =	shalt  }
0x63: {  	_ =	shalt  }
0x64: {  	_ =	shalt  }
0x65: {  	_ =	shalt  }
0x66: {  	_ =	shalt  }
0x67: {  	_ =	shalt  }
0x68: {  	_ =	shalt  }
0x69: {  	_ =	shalt  }
0x6a: {  	_ =	shalt  }
0x6b: {  	_ =	shalt  }
0x6c: {  	_ =	shalt  }
0x6d: {  	_ =	shalt  }
0x6e: {  	_ =	shalt  }
0x6f: {  	_ =	shalt  }
0x70: {  	_ =	shalt  }
0x71: {  	_ =	shalt  }
0x72: {  	_ =	shalt  }
0x73: {  	_ =	shalt  }
0x74: {  	_ =	shalt  }
0x75: {  	_ =	shalt  }
0x76: {  	_ =	shalt  }
0x77: {  	_ =	shalt  }
0x78: {  	_ =	shalt  }
0x79: {  	_ =	shalt  }
0x7a: {  	_ =	shalt  }
0x7b: {  	_ =	shalt  }
0x7c: {  	_ =	shalt  }
0x7d: {  	_ =	shalt  }
0x7e: {  	_ =	shalt  }
0x7f: {  	_ =	shalt  }
0x80: {  	_ =	shalt  }
0x81: {  	_ =	shalt  }
0x82: {  	_ =	shalt  }
0x83: {  	_ =	shalt  }
0x84: {  	_ =	shalt  }
0x85: {  	_ =	shalt  }
0x86: {  	_ =	shalt  }
0x87: {  	_ =	shalt  }
.Lfunc_end0:
.L_simem_size_0:
called_computation.1_lowered:
.L_overlay_start_0:
0x88: {  	s2 =	sld [smem:$0x3FD9]  }
0x89: {  	s3 =	sld [smem:$0x3FFE];
	_ =	sdelay $0x1  }
0x8a: {  	s1 =	srdreg.scid  }
0x8b: {  	s0 =	sand.u32 $0x1, s1  }
0x8c: {  	s17 =	sshll.u32 s0, $0xA;
	s2 =	sadd.s32 s3, s2  }
0x8d: {  	s2 =	sadd.s32 s2, s17  }
0x8e: {  	[smem:$0x3FC5] =	sst s2  }
0x8f: {  	_ = 	snop  }
0x90: {  	s2 =	sld [smem:$0x3FD0];
	(tm) =	ssettm $0x1  }
0x91: {  	s18 =	sld [smem:$0x3FFB];
	_ =	sdelay $0x3  }
0x92: {  	_ =	strace s18  }
0x93: {  	s3 =	sld [smem:$0x3FFC];
	_ =	sdelay $0x3  }
0x94: {  	_ =	strace s3  }
0x95: {  	s3 =	sld [smem:$0x3FFD];
	_ =	sdelay $0x3  }
0x96: {  	_ =	strace s3  }
0x97: {  	_ =	strace $0x8FFFFFFF  }
0x98: {  	s19 =	sld [smem:$0x3FDB];
	_ =	sdelay $0x1  }
0x99: {  	s4 =	simm.s32 $_scs_section_size  }
0x9a: {  	s5 =	simm.s32 $_size__tile_overlayer_lowered;
	s6 =	simm.s32 $_tile_overlayer_lowered  }
0x9b: {  	s22 =	simm.s32 $0x1BFF;
	s21 =	sshll.u32 s6, $0x1;
	s3 =	sadd.s32 s4, s19  }
0x9c: {  	s7 =	simm.s32 $0x0;
	s20 =	sshll.u32 s5, $0x1;
	s5 =	sadd.s32 s21, s3  }
0x9d: {  	[timem:s7], [sflag:s22] =	dma.local [hbm:s5], s20  }
0x9e: {  	_ =	swait.ge [sflag:s22], s20  }
0x9f: {  	s4 =	ssub.s32 $0x0, s20;
	[sflag:s22] =	ssyncset.done $0x0  }
0xa0: {  	[sflag:s22] =	ssyncadd.s32 s4;
	_ =	sdelay $0x1  }
0xa1: {  	s23 =	simm.s32 $0x1B8B  }
0xa2: {  	_ =	swait.ge [sflag:s23], $0x1  }
0xa3: {  	[sflag:s23] =	ssyncset.done $0x0  }
0xa4: {  	s25 =	simm.s32 $0x1B8E;
	s24 =	sld [smem:$0x3FFE];
	[sflag:s23] =	ssyncadd.s32 $0xFFFFFFFF  }
0xa5: {  	s26 =	simm.s32 $execute0_lowered;
	[smem:$0x3FD2] =	sst s25  }
0xa6: {  	s5 =	sshll.u32 s26, $0x1;
	_ =	strace $0x80000049;
	[dreg:$0x1] =	wrdreg $0xFFFFFFFF  }
0xa7: {  	s28 =	simm.s32 $_size_execute0_lowered;
	s3 =	sadd.s32 s3, s5;
	[dreg:$0x0] =	wrdreg $0x0  }
0xa8: {  	s5 =	sshll.u32 s28, $0x1;
	[dreg:$0x2] =	wrdreg s3  }
0xa9: {  	[dreg:$0x3] =	wrdreg s5  }
0xaa: {  	[dreg:$0x4] =	wrdreg $0xC0  }
0xab: {  	_ =	task [dreg:s7], $0x5FFFF  }
0xac: {  	[dreg:$0x1] =	wrdreg $0xFFFFFFFF  }
0xad: {  	[dreg:$0x0] =	wrdreg $0x60  }
0xae: {  	[dreg:$0x2] =	wrdreg s2  }
0xaf: {  	[dreg:$0x3] =	wrdreg s24  }
0xb0: {  	[dreg:$0x4] =	wrdreg $0x188800  }
0xb1: {  	[dreg:$0x5] =	wrdreg $0x1A0F00  }
0xb2: {  	[dreg:$0x6] =	wrdreg $0x9  }
0xb3: {  	_ =	task.clear_ibuf [dreg:s7], $0x7FFFF;
	_ =	strace $0x90000049  }
0xb4: {  	s29 =	simm.s32 $0x9;
	_ =	strace $0x8000004B  }
0xb5: {  	_ =	swait.ge [sflag:s29], $0x1  }
0xb6: {  	[sflag:s29] =	ssyncadd.s32 $0xFFFFFFFF  }
0xb7: {  	_ =	strace $0x9000004B  }
0xb8: {  	_ =	sfence  }
0xb9: {  	s30 =	sld [smem:$0x0];
	_ =	sdelay $0x2  }
0xba: {  	s31 =	sshll.u32 s1, $0xD;
	s1 =	sshrl.u32 s1, $0x2  }
0xbb: {  	s3 =	sand.u32 $0x4000, s31;
	s1 =	sadd.s32 s1, s30  }
0xbc: {  	s0 =	sor.u32 s3, s0;
	s1 =	sshll.u32 s1, $0x11  }
0xbd: {  	s0 =	sor.u32 s1, s0  }
0xbe: {  	s0 =	sadd.s32 $0x8F2B, s0  }
0xbf: {  	[sflag:s0] =	ssyncadd.remote.s32 $0x1  }
0xc0: {  	_ =	sfence.sel $0xFFFF  }
0xc1: {  	[dreg:$0x0] =	wrdreg $0xFFFFFFFF;
	(pc) =	sbr.abs _section_cstart, $3  }
0xc2: {  	[dreg:$0x1] =	wrdreg $0xFFFFFFFF  }
0xc3: {  	_ =	task.clear_ibuf [dreg:s7], $0x2FFFF;
	_ =	strace $0x9FFFFFFF  }
0xc4: {  	(tm) =	ssettm $0x7FFFFFFF  }
0xc5: {  	_ =	shalt  }
tec
execute0_lowered:
.L_overlay_start_1:
0x0: {  	(tag) =	ssettag $0x1  }
0x1: {  	s0 =	srdreg.scid  }
0x2: {  	s2 =	rddreg [dreg:$0x0];
	s0 =	sand.u32 $0x1, s0  }
0x3: {  	s5 =	rddreg [dreg:$0x1];
	s6 =	stileid.u32;
	s7 =	sshll.u32 s0, $0x4  }
0x4: {  	s3 =	rddreg [dreg:$0x2];
	s4 =	sor.u32 s6, s7  }
0x5: {  	s1 =	rddreg [dreg:$0x3];
	s8 =	smul.u32 $0x30D40, s4  }
0x6: {  	s29 =	rddreg [dreg:$0x4]  }
0x7: {  	s13 =	simm.s32 $0x1;
	s4 =	simm.s32 $0x0;
	s8 =	sshrl.u32 s8, $0x3  }
0x8: {  	s9 =	sadd.s32 $0x187400, s5;
	[smem:$0x7FF] =	sst s4;
	s8 =	sadd.s32 s8, s5  }
0x9: {  	_ =	strace $0x8000004A;
	[dreg:$0x5] =	wrdreg s9;
	s14 =	sadd.s32 $0xA00, s8  }
0xa: {  	s12 =	simm.s32 $0x1580;
	s15 =	sadd.s32 $0xC3F00, s8;
	[dreg:$0x6] =	wrdreg s14  }
0xb: {  	s11 =	simm.s32 $0x2;
	s16 =	sadd.s32 $0x13C4, s8;
	[dreg:$0x7] =	wrdreg s15  }
0xc: {  	p1 =	por $0x0, $0x0;
	s17 =	sadd.s32 $0xC48C4, s8;
	[dreg:$0x8] =	wrdreg s16  }
0xd: {  	p0 =	sne.s32 s6, $0x0;
	s18 =	sadd.s32 $0x1D88, s8;
	[dreg:$0x9] =	wrdreg s17  }
0xe: {  	s0 =	ssub.s32 $0x2, s0;
	s19 =	sadd.s32 $0xC5288, s8;
	[dreg:$0xa] =	wrdreg s18  }
0xf: {  	s10 =	sshrl.u32 s0, $0x1;
	s20 =	sadd.s32 $0x274C, s8;
	[dreg:$0xb] =	wrdreg s19  }
0x10: {  	s6 =	simm.s32 $0x9D00;
	s21 =	sadd.s32 $0xC5C4C, s8;
	[dreg:$0xc] =	wrdreg s20  }
0x11: {  	s0 =	ssub.s32 s0, s10;
	s22 =	sadd.s32 $0x3110, s8;
	[dreg:$0xd] =	wrdreg s21  }
0x12: {  	s10 =	sshrl.u32 @!p0 s1, $0x3;
	s23 =	sadd.s32 $0xC6610, s8;
	[dreg:$0xe] =	wrdreg s22  }
0x13: {  	s0 =	smax.u32 s0, $0x1;
	s24 =	sadd.s32 $0x3AD4, s8;
	[dreg:$0xf] =	wrdreg s23  }
0x14: {  	s0 =	sadd.s32 $0xFFFFFFFF, s0;
	s25 =	sadd.s32 $0xC6FD4, s8;
	[dreg:$0x10] =	wrdreg s24  }
0x15: {  	s9 =	simm.s32 $0x3;
	s26 =	sadd.s32 $0x4498, s8;
	[dreg:$0x11] =	wrdreg s25  }
0x16: {  	s5 =	sadd.s32 s7, s5;
	s28 =	sadd.s32 $0xC7998, s8;
	[dreg:$0x12] =	wrdreg s26  }
0x17: {  	s7 =	simm.s32 $0x4E20;
	s31 =	sadd.s32 $0x4E5C, s8;
	[dreg:$0x13] =	wrdreg s28  }
0x18: {  	p2 =	sne.s32 s0, $0x0;
	s5 =	sadd.s32 $0x18A600, s5;
	[dreg:$0x14] =	wrdreg s31  }
.Ltmp0:
0x19: {  	s24 =	sadd.s32 $0xC835C, s8;
	s21 =	sadd.s32 $0x5820, s8;
	(pc) =	sbr.rel @!p2 .LBB2_1-.Ltmp0, $4  }
0x1a: {  	s22 =	sadd.s32 $0xC8D20, s8;
	s16 =	sadd.s32 $0x61E4, s8;
	s17 =	sadd.s32 $0xC96E4, s8  }
0x1b: {  	s18 =	simm.s32 $0x4E80;
	s19 =	simm.s32 $0xEB80;
	s15 =	simm.s32 $0x38A0  }
0x1c: {  	s23 =	simm.s32 $0x10100;
	s14 =	simm.s32 $0x4;
	s8 =	simm.s32 $0x13A00  }
0x1d: {  	s20 =	simm.s32 $0x14F80;
	s25 =	sshrl.u32 @!p0 s3, $0x3;
	s30 =	rddreg [dreg:$0x6]  }
0x1e: {  	[tilespmem:s4], [sflag:$0x1] =	stream.linear.gather [hbm4b:s30+s4], $0x4E20, $0x38;
	[tilespmem:$0x1B960] =	vst v63  }
0x1f: {  	s29 =	rddreg [dreg:$0x7];
	s28 =	simm.s32 @!p0 $0x1C04;
	s26 =	simm.s32 @!p0 $0x4  }
0x20: {  	[tilespmem:s18], [sflag:$0x1] =	stream.linear.gather [hbm4b:s29+s4], $0x4E20, $0x38;
	[tilespmem:$0x1B960] =	vst v63  }
0x21: {  	[spmem:s25], [sflag:s28] =	dma.local @!p0 [hbm:s2], $0x30E0  }
0x22: {  	_ =	swait.ge @!p0 [sflag:s26], $0x30E0  }
0x23: {  	[sflag:s26] =	ssyncset.done @!p0 $0x0  }
0x24: {  	s29 =	rddreg [dreg:$0x5];
	[sflag:s26] =	ssyncadd.s32 @!p0 $0xFFFFCF20  }
0x25: {  	[spmem:s10], [sflag:s28] =	dma.local @!p0 [hbm:s29], $0x30E0  }
0x26: {  	_ =	swait.ge @!p0 [sflag:s26], $0x30E0  }
0x27: {  	[sflag:s26] =	ssyncset.done @!p0 $0x0  }
0x28: {  	[sflag:s26] =	ssyncadd.s32 @!p0 $0xFFFFCF20  }
0x29: {  	[bflag:$0x0] =	sbarrier.arrive $0xFFFF  }
0x2a: {  	_ =	swait.ge [sflag:s13], $0x4E20  }
0x2b: {  	[sflag:s13] =	ssyncset.done $0x0  }
0x2c: {  	[sflag:s13] =	ssyncadd.s32 $0xFFFFB1E0  }
0x2d: {  	_ =	swait.ge [sflag:s13], $0x4E20  }
0x2e: {  	[sflag:s13] =	ssyncset.done $0x0  }
0x2f: {  	[sflag:s13] =	ssyncadd.s32 $0xFFFFB1E0  }
0x30: {  	[tilespmem:s19], [sflag:$0x2] =	stream.indirect.gather [hbm4b:s2+s12], $0x1, s4, s12, $0xb8;
	[tilespmem:$0x1B960] =	vst v63  }
0x31: {  	_ = 	snop  }
0x32: {  	[tilespmem:s23], [sflag:$0x4] =	stream.indirect.gather [spmem:s3], $0x1, s12, s15, $0xb8;
	[tilespmem:$0x1B960] =	vst v63  }
0x33: {  	_ =	swait.ge [sflag:s14], $0x38A0  }
0x34: {  	[sflag:s14] =	ssyncset.done $0x0  }
0x35: {  	[sflag:s14] =	ssyncadd.s32 $0xFFFFC760  }
0x36: {  	_ =	swait.ge [sflag:s11], $0x1580  }
0x37: {  	[sflag:s11] =	ssyncset.done $0x0  }
0x38: {  	s29 =	rddreg [dreg:$0x8];
	[sflag:s11] =	ssyncadd.s32 $0xFFFFEA80  }
0x39: {  	[tilespmem:s4], [sflag:$0x1] =	stream.linear.gather [hbm4b:s29+s4], $0x4E20, $0x38;
	[tilespmem:$0x1B960] =	vst v63  }
0x3a: {  	s30 =	rddreg [dreg:$0x9]  }
0x3b: {  	[tilespmem:s6], [sflag:$0x1] =	stream.linear.gather [hbm4b:s30+s4], $0x4E20, $0x38;
	[tilespmem:$0x1B960] =	vst v63  }
0x3c: {  	_ = 	snop  }
0x3d: {  	[spmem:s1] =	stream.indirect.scatter.add.f32 [tilespmem:s19], [sflag:$0x3], $0x1, s18, s7, $0xb8;
	[tilespmem:$0x1B960] =	vst v63  }
0x3e: {  	_ =	swait.ge [sflag:s13], $0x4E20  }
0x3f: {  	[sflag:s13] =	ssyncset.done $0x0  }
0x40: {  	[sflag:s13] =	ssyncadd.s32 $0xFFFFB1E0  }
0x41: {  	_ =	swait.ge [sflag:s13], $0x4E20  }
0x42: {  	[sflag:s13] =	ssyncset.done $0x0  }
0x43: {  	[sflag:s13] =	ssyncadd.s32 $0xFFFFB1E0  }
0x44: {  	[tilespmem:s8], [sflag:$0x2] =	stream.indirect.gather [hbm4b:s2+s12], $0x1, s4, s12, $0xb8;
	[tilespmem:$0x1B960] =	vst v63  }
0x45: {  	_ = 	snop  }
0x46: {  	[tilespmem:s20], [sflag:$0x4] =	stream.indirect.gather [spmem:s3], $0x1, s12, s15, $0xb8;
	[tilespmem:$0x1B960] =	vst v63  }
0x47: {  	_ =	swait.ge [sflag:s14], $0x38A0  }
0x48: {  	[sflag:s14] =	ssyncset.done $0x0  }
0x49: {  	[sflag:s14] =	ssyncadd.s32 $0xFFFFC760  }
0x4a: {  	_ =	swait.ge [sflag:s11], $0x1580  }
0x4b: {  	[sflag:s11] =	ssyncset.done $0x0  }
0x4c: {  	[sflag:s11] =	ssyncadd.s32 $0xFFFFEA80  }
0x4d: {  	_ =	swait.ge [sflag:s9], $0x4E20  }
0x4e: {  	[sflag:s9] =	ssyncset.done $0x0  }
0x4f: {  	s29 =	rddreg [dreg:$0xa];
	[sflag:s9] =	ssyncadd.s32 $0xFFFFB1E0  }
0x50: {  	[tilespmem:s4], [sflag:$0x1] =	stream.linear.gather [hbm4b:s29+s4], $0x4E20, $0x38;
	[tilespmem:$0x1B960] =	vst v63  }
0x51: {  	s30 =	rddreg [dreg:$0xb]  }
0x52: {  	[tilespmem:s18], [sflag:$0x1] =	stream.linear.gather [hbm4b:s30+s4], $0x4E20, $0x38;
	[tilespmem:$0x1B960] =	vst v63  }
0x53: {  	_ = 	snop  }
0x54: {  	[spmem:s1] =	stream.indirect.scatter.add.f32 [tilespmem:s8], [sflag:$0x3], $0x1, s6, s7, $0xb8;
	[tilespmem:$0x1B960] =	vst v63  }
0x55: {  	_ =	swait.ge [sflag:s13], $0x4E20  }
0x56: {  	[sflag:s13] =	ssyncset.done $0x0  }
0x57: {  	[sflag:s13] =	ssyncadd.s32 $0xFFFFB1E0  }
0x58: {  	_ =	swait.ge [sflag:s13], $0x4E20  }
0x59: {  	[sflag:s13] =	ssyncset.done $0x0  }
0x5a: {  	[sflag:s13] =	ssyncadd.s32 $0xFFFFB1E0  }
0x5b: {  	[tilespmem:s19], [sflag:$0x2] =	stream.indirect.gather [hbm4b:s2+s12], $0x1, s4, s12, $0xb8;
	[tilespmem:$0x1B960] =	vst v63  }
0x5c: {  	_ = 	snop  }
0x5d: {  	[tilespmem:s23], [sflag:$0x4] =	stream.indirect.gather [spmem:s3], $0x1, s12, s15, $0xb8;
	[tilespmem:$0x1B960] =	vst v63  }
0x5e: {  	_ =	swait.ge [sflag:s14], $0x38A0  }
0x5f: {  	[sflag:s14] =	ssyncset.done $0x0  }
0x60: {  	[sflag:s14] =	ssyncadd.s32 $0xFFFFC760  }
0x61: {  	_ =	swait.ge [sflag:s11], $0x1580  }
0x62: {  	[sflag:s11] =	ssyncset.done $0x0  }
0x63: {  	[sflag:s11] =	ssyncadd.s32 $0xFFFFEA80  }
0x64: {  	_ =	swait.ge [sflag:s9], $0x4E20  }
0x65: {  	[sflag:s9] =	ssyncset.done $0x0  }
0x66: {  	s29 =	rddreg [dreg:$0xc];
	[sflag:s9] =	ssyncadd.s32 $0xFFFFB1E0  }
0x67: {  	[tilespmem:s4], [sflag:$0x1] =	stream.linear.gather [hbm4b:s29+s4], $0x4E20, $0x38;
	[tilespmem:$0x1B960] =	vst v63  }
0x68: {  	s30 =	rddreg [dreg:$0xd]  }
0x69: {  	[tilespmem:s6], [sflag:$0x1] =	stream.linear.gather [hbm4b:s30+s4], $0x4E20, $0x38;
	[tilespmem:$0x1B960] =	vst v63  }
0x6a: {  	_ = 	snop  }
0x6b: {  	[spmem:s1] =	stream.indirect.scatter.add.f32 [tilespmem:s19], [sflag:$0x3], $0x1, s18, s7, $0xb8;
	[tilespmem:$0x1B960] =	vst v63  }
0x6c: {  	_ =	swait.ge [sflag:s13], $0x4E20  }
0x6d: {  	[sflag:s13] =	ssyncset.done $0x0  }
0x6e: {  	[sflag:s13] =	ssyncadd.s32 $0xFFFFB1E0  }
0x6f: {  	_ =	swait.ge [sflag:s13], $0x4E20  }
0x70: {  	[sflag:s13] =	ssyncset.done $0x0  }
0x71: {  	[sflag:s13] =	ssyncadd.s32 $0xFFFFB1E0  }
0x72: {  	[tilespmem:s8], [sflag:$0x2] =	stream.indirect.gather [hbm4b:s2+s12], $0x1, s4, s12, $0xb8;
	[tilespmem:$0x1B960] =	vst v63  }
0x73: {  	_ = 	snop  }
0x74: {  	[tilespmem:s20], [sflag:$0x4] =	stream.indirect.gather [spmem:s3], $0x1, s12, s15, $0xb8;
	[tilespmem:$0x1B960] =	vst v63  }
0x75: {  	_ =	swait.ge [sflag:s14], $0x38A0  }
0x76: {  	[sflag:s14] =	ssyncset.done $0x0  }
0x77: {  	[sflag:s14] =	ssyncadd.s32 $0xFFFFC760  }
0x78: {  	_ =	swait.ge [sflag:s11], $0x1580  }
0x79: {  	[sflag:s11] =	ssyncset.done $0x0  }
0x7a: {  	[sflag:s11] =	ssyncadd.s32 $0xFFFFEA80  }
0x7b: {  	_ =	swait.ge [sflag:s9], $0x4E20  }
0x7c: {  	[sflag:s9] =	ssyncset.done $0x0  }
0x7d: {  	s29 =	rddreg [dreg:$0xe];
	[sflag:s9] =	ssyncadd.s32 $0xFFFFB1E0  }
0x7e: {  	[tilespmem:s4], [sflag:$0x1] =	stream.linear.gather [hbm4b:s29+s4], $0x4E20, $0x38;
	[tilespmem:$0x1B960] =	vst v63  }
0x7f: {  	s30 =	rddreg [dreg:$0xf]  }
0x80: {  	[tilespmem:s18], [sflag:$0x1] =	stream.linear.gather [hbm4b:s30+s4], $0x4E20, $0x38;
	[tilespmem:$0x1B960] =	vst v63  }
0x81: {  	_ = 	snop  }
0x82: {  	[spmem:s1] =	stream.indirect.scatter.add.f32 [tilespmem:s8], [sflag:$0x3], $0x1, s6, s7, $0xb8;
	[tilespmem:$0x1B960] =	vst v63  }
0x83: {  	_ =	swait.ge [sflag:s13], $0x4E20  }
0x84: {  	[sflag:s13] =	ssyncset.done $0x0  }
0x85: {  	[sflag:s13] =	ssyncadd.s32 $0xFFFFB1E0  }
0x86: {  	_ =	swait.ge [sflag:s13], $0x4E20  }
0x87: {  	[sflag:s13] =	ssyncset.done $0x0  }
0x88: {  	[sflag:s13] =	ssyncadd.s32 $0xFFFFB1E0  }
0x89: {  	[tilespmem:s19], [sflag:$0x2] =	stream.indirect.gather [hbm4b:s2+s12], $0x1, s4, s12, $0xb8;
	[tilespmem:$0x1B960] =	vst v63  }
0x8a: {  	_ = 	snop  }
0x8b: {  	[tilespmem:s23], [sflag:$0x4] =	stream.indirect.gather [spmem:s3], $0x1, s12, s15, $0xb8;
	[tilespmem:$0x1B960] =	vst v63  }
0x8c: {  	_ =	swait.ge [sflag:s14], $0x38A0  }
0x8d: {  	[sflag:s14] =	ssyncset.done $0x0  }
0x8e: {  	[sflag:s14] =	ssyncadd.s32 $0xFFFFC760  }
0x8f: {  	_ =	swait.ge [sflag:s11], $0x1580  }
0x90: {  	[sflag:s11] =	ssyncset.done $0x0  }
0x91: {  	[sflag:s11] =	ssyncadd.s32 $0xFFFFEA80  }
0x92: {  	_ =	swait.ge [sflag:s9], $0x4E20  }
0x93: {  	[sflag:s9] =	ssyncset.done $0x0  }
0x94: {  	s29 =	rddreg [dreg:$0x10];
	[sflag:s9] =	ssyncadd.s32 $0xFFFFB1E0  }
0x95: {  	[tilespmem:s4], [sflag:$0x1] =	stream.linear.gather [hbm4b:s29+s4], $0x4E20, $0x38;
	[tilespmem:$0x1B960] =	vst v63  }
0x96: {  	s30 =	rddreg [dreg:$0x11]  }
0x97: {  	[tilespmem:s6], [sflag:$0x1] =	stream.linear.gather [hbm4b:s30+s4], $0x4E20, $0x38;
	[tilespmem:$0x1B960] =	vst v63  }
0x98: {  	_ = 	snop  }
0x99: {  	[spmem:s1] =	stream.indirect.scatter.add.f32 [tilespmem:s19], [sflag:$0x3], $0x1, s18, s7, $0xb8;
	[tilespmem:$0x1B960] =	vst v63  }
0x9a: {  	_ =	swait.ge [sflag:s13], $0x4E20  }
0x9b: {  	[sflag:s13] =	ssyncset.done $0x0  }
0x9c: {  	[sflag:s13] =	ssyncadd.s32 $0xFFFFB1E0  }
0x9d: {  	_ =	swait.ge [sflag:s13], $0x4E20  }
0x9e: {  	[sflag:s13] =	ssyncset.done $0x0  }
0x9f: {  	[sflag:s13] =	ssyncadd.s32 $0xFFFFB1E0  }
0xa0: {  	[tilespmem:s8], [sflag:$0x2] =	stream.indirect.gather [hbm4b:s2+s12], $0x1, s4, s12, $0xb8;
	[tilespmem:$0x1B960] =	vst v63  }
0xa1: {  	_ = 	snop  }
0xa2: {  	[tilespmem:s20], [sflag:$0x4] =	stream.indirect.gather [spmem:s3], $0x1, s12, s15, $0xb8;
	[tilespmem:$0x1B960] =	vst v63  }
0xa3: {  	_ =	swait.ge [sflag:s14], $0x38A0  }
0xa4: {  	[sflag:s14] =	ssyncset.done $0x0  }
0xa5: {  	[sflag:s14] =	ssyncadd.s32 $0xFFFFC760  }
0xa6: {  	_ =	swait.ge [sflag:s11], $0x1580  }
0xa7: {  	[sflag:s11] =	ssyncset.done $0x0  }
0xa8: {  	[sflag:s11] =	ssyncadd.s32 $0xFFFFEA80  }
0xa9: {  	_ =	swait.ge [sflag:s9], $0x4E20  }
0xaa: {  	[sflag:s9] =	ssyncset.done $0x0  }
0xab: {  	s29 =	rddreg [dreg:$0x12];
	[sflag:s9] =	ssyncadd.s32 $0xFFFFB1E0  }
0xac: {  	[tilespmem:s4], [sflag:$0x1] =	stream.linear.gather [hbm4b:s29+s4], $0x4E20, $0x38;
	[tilespmem:$0x1B960] =	vst v63  }
0xad: {  	s30 =	rddreg [dreg:$0x13]  }
0xae: {  	[tilespmem:s18], [sflag:$0x1] =	stream.linear.gather [hbm4b:s30+s4], $0x4E20, $0x38;
	[tilespmem:$0x1B960] =	vst v63  }
0xaf: {  	_ = 	snop  }
0xb0: {  	[spmem:s1] =	stream.indirect.scatter.add.f32 [tilespmem:s8], [sflag:$0x3], $0x1, s6, s7, $0xb8;
	[tilespmem:$0x1B960] =	vst v63  }
0xb1: {  	_ =	swait.ge [sflag:s13], $0x4E20  }
0xb2: {  	[sflag:s13] =	ssyncset.done $0x0  }
0xb3: {  	[sflag:s13] =	ssyncadd.s32 $0xFFFFB1E0  }
0xb4: {  	_ =	swait.ge [sflag:s13], $0x4E20  }
0xb5: {  	[sflag:s13] =	ssyncset.done $0x0  }
0xb6: {  	[sflag:s13] =	ssyncadd.s32 $0xFFFFB1E0  }
0xb7: {  	[tilespmem:s19], [sflag:$0x2] =	stream.indirect.gather [hbm4b:s2+s12], $0x1, s4, s12, $0xb8;
	[tilespmem:$0x1B960] =	vst v63  }
0xb8: {  	_ = 	snop  }
0xb9: {  	[tilespmem:s23], [sflag:$0x4] =	stream.indirect.gather [spmem:s3], $0x1, s12, s15, $0xb8;
	[tilespmem:$0x1B960] =	vst v63  }
0xba: {  	_ =	swait.ge [sflag:s14], $0x38A0  }
0xbb: {  	[sflag:s14] =	ssyncset.done $0x0  }
0xbc: {  	[sflag:s14] =	ssyncadd.s32 $0xFFFFC760  }
0xbd: {  	_ =	swait.ge [sflag:s11], $0x1580  }
0xbe: {  	[sflag:s11] =	ssyncset.done $0x0  }
0xbf: {  	[sflag:s11] =	ssyncadd.s32 $0xFFFFEA80  }
0xc0: {  	_ =	swait.ge [sflag:s9], $0x4E20  }
0xc1: {  	[sflag:s9] =	ssyncset.done $0x0  }
0xc2: {  	s29 =	rddreg [dreg:$0x14];
	[sflag:s9] =	ssyncadd.s32 $0xFFFFB1E0  }
0xc3: {  	[tilespmem:s4], [sflag:$0x1] =	stream.linear.gather [hbm4b:s29+s4], $0x4E20, $0x38;
	[tilespmem:$0x1B960] =	vst v63  }
0xc4: {  	_ = 	snop  }
0xc5: {  	[tilespmem:s6], [sflag:$0x1] =	stream.linear.gather [hbm4b:s24+s4], $0x4E20, $0x38;
	[tilespmem:$0x1B960] =	vst v63  }
0xc6: {  	_ = 	snop  }
0xc7: {  	[spmem:s1] =	stream.indirect.scatter.add.f32 [tilespmem:s19], [sflag:$0x3], $0x1, s18, s7, $0xb8;
	[tilespmem:$0x1B960] =	vst v63  }
0xc8: {  	_ =	swait.ge [sflag:s13], $0x4E20  }
0xc9: {  	[sflag:s13] =	ssyncset.done $0x0  }
0xca: {  	[sflag:s13] =	ssyncadd.s32 $0xFFFFB1E0  }
0xcb: {  	_ =	swait.ge [sflag:s13], $0x4E20  }
0xcc: {  	[sflag:s13] =	ssyncset.done $0x0  }
0xcd: {  	[sflag:s13] =	ssyncadd.s32 $0xFFFFB1E0  }
0xce: {  	[tilespmem:s8], [sflag:$0x2] =	stream.indirect.gather [hbm4b:s2+s12], $0x1, s4, s12, $0xb8;
	[tilespmem:$0x1B960] =	vst v63  }
0xcf: {  	_ = 	snop  }
0xd0: {  	[tilespmem:s20], [sflag:$0x4] =	stream.indirect.gather [spmem:s3], $0x1, s12, s15, $0xb8;
	[tilespmem:$0x1B960] =	vst v63  }
0xd1: {  	_ =	swait.ge [sflag:s14], $0x38A0  }
0xd2: {  	[sflag:s14] =	ssyncset.done $0x0  }
0xd3: {  	[sflag:s14] =	ssyncadd.s32 $0xFFFFC760  }
0xd4: {  	_ =	swait.ge [sflag:s11], $0x1580  }
0xd5: {  	[sflag:s11] =	ssyncset.done $0x0  }
0xd6: {  	[sflag:s11] =	ssyncadd.s32 $0xFFFFEA80  }
0xd7: {  	_ =	swait.ge [sflag:s9], $0x4E20  }
0xd8: {  	[sflag:s9] =	ssyncset.done $0x0  }
0xd9: {  	[sflag:s9] =	ssyncadd.s32 $0xFFFFB1E0  }
0xda: {  	[tilespmem:s4], [sflag:$0x1] =	stream.linear.gather [hbm4b:s21+s4], $0x4E20, $0x38;
	[tilespmem:$0x1B960] =	vst v63  }
0xdb: {  	_ = 	snop  }
0xdc: {  	[tilespmem:s18], [sflag:$0x1] =	stream.linear.gather [hbm4b:s22+s4], $0x4E20, $0x38;
	[tilespmem:$0x1B960] =	vst v63  }
0xdd: {  	_ = 	snop  }
0xde: {  	[spmem:s1] =	stream.indirect.scatter.add.f32 [tilespmem:s8], [sflag:$0x3], $0x1, s6, s7, $0xb8;
	[tilespmem:$0x1B960] =	vst v63  }
0xdf: {  	_ =	swait.ge [sflag:s13], $0x4E20  }
0xe0: {  	[sflag:s13] =	ssyncset.done $0x0  }
0xe1: {  	[sflag:s13] =	ssyncadd.s32 $0xFFFFB1E0  }
0xe2: {  	_ =	swait.ge [sflag:s13], $0x4E20  }
0xe3: {  	[sflag:s13] =	ssyncset.done $0x0  }
0xe4: {  	[sflag:s13] =	ssyncadd.s32 $0xFFFFB1E0  }
0xe5: {  	[tilespmem:s19], [sflag:$0x2] =	stream.indirect.gather [hbm4b:s2+s12], $0x1, s4, s12, $0xb8;
	[tilespmem:$0x1B960] =	vst v63  }
0xe6: {  	_ = 	snop  }
0xe7: {  	[tilespmem:s23], [sflag:$0x4] =	stream.indirect.gather [spmem:s3], $0x1, s12, s15, $0xb8;
	[tilespmem:$0x1B960] =	vst v63  }
0xe8: {  	_ =	swait.ge [sflag:s14], $0x38A0  }
0xe9: {  	[sflag:s14] =	ssyncset.done $0x0  }
0xea: {  	[sflag:s14] =	ssyncadd.s32 $0xFFFFC760  }
0xeb: {  	_ =	swait.ge [sflag:s11], $0x1580  }
0xec: {  	[sflag:s11] =	ssyncset.done $0x0  }
0xed: {  	[sflag:s11] =	ssyncadd.s32 $0xFFFFEA80  }
0xee: {  	_ =	swait.ge [sflag:s9], $0x4E20  }
0xef: {  	[sflag:s9] =	ssyncset.done $0x0  }
0xf0: {  	[sflag:s9] =	ssyncadd.s32 $0xFFFFB1E0  }
0xf1: {  	[tilespmem:s4], [sflag:$0x1] =	stream.linear.gather [hbm4b:s16+s4], $0x4E20, $0x38;
	[tilespmem:$0x1B960] =	vst v63  }
0xf2: {  	_ = 	snop  }
0xf3: {  	[tilespmem:s6], [sflag:$0x1] =	stream.linear.gather [hbm4b:s17+s4], $0x4E20, $0x38;
	[tilespmem:$0x1B960] =	vst v63  }
0xf4: {  	_ = 	snop  }
0xf5: {  	[spmem:s1] =	stream.indirect.scatter.add.f32 [tilespmem:s19], [sflag:$0x3], $0x1, s18, s7, $0xb8;
	[tilespmem:$0x1B960] =	vst v63  }
0xf6: {  	_ =	swait.ge [sflag:s13], $0x4E20  }
0xf7: {  	[sflag:s13] =	ssyncset.done $0x0  }
0xf8: {  	[sflag:s13] =	ssyncadd.s32 $0xFFFFB1E0  }
0xf9: {  	_ =	swait.ge [sflag:s13], $0x4E20  }
0xfa: {  	[sflag:s13] =	ssyncset.done $0x0  }
0xfb: {  	[sflag:s13] =	ssyncadd.s32 $0xFFFFB1E0  }
0xfc: {  	[tilespmem:s8], [sflag:$0x2] =	stream.indirect.gather [hbm4b:s2+s12], $0x1, s4, s12, $0xb8;
	[tilespmem:$0x1B960] =	vst v63  }
0xfd: {  	_ = 	snop  }
0xfe: {  	[tilespmem:s20], [sflag:$0x4] =	stream.indirect.gather [spmem:s3], $0x1, s12, s15, $0xb8;
	[tilespmem:$0x1B960] =	vst v63  }
0xff: {  	_ =	swait.ge [sflag:s14], $0x38A0  }
0x100: {  	[sflag:s14] =	ssyncset.done $0x0  }
0x101: {  	[sflag:s14] =	ssyncadd.s32 $0xFFFFC760  }
0x102: {  	_ =	swait.ge [sflag:s11], $0x1580  }
0x103: {  	[sflag:s11] =	ssyncset.done $0x0  }
0x104: {  	[sflag:s11] =	ssyncadd.s32 $0xFFFFEA80  }
0x105: {  	_ =	swait.ge [sflag:s9], $0x4E20  }
0x106: {  	[sflag:s9] =	ssyncset.done $0x0  }
0x107: {  	[sflag:s9] =	ssyncadd.s32 $0xFFFFB1E0  }
0x108: {  	[spmem:s1] =	stream.indirect.scatter.add.f32 [tilespmem:s8], [sflag:$0x3], $0x1, s6, s7, $0xb8;
	[tilespmem:$0x1B960] =	vst v63  }
0x109: {  	s29 =	sadd.s32 $0xFFFFFFFF, s0;
	_ =	swait.ge [sflag:s9], $0x4E20  }
0x10a: {  	p2 =	sne.s32 s29, $0x0;
	[sflag:s9] =	ssyncset.done $0x0  }
.Ltmp1:
0x10b: {  	s31 =	simm.s32 @!p0 $0x1;
	[sflag:s9] =	ssyncadd.s32 $0xFFFFB1E0;
	(pc) =	sbr.rel @!p2 .LBB2_3-.Ltmp1, $4  }
0x10c: {  	s30 =	simm.s32 @!p0 $0x10;
	s0 =	simm.s32 @!p0 $0x20;
	[bflag:$0x0] =	sbarrier.arrive $0xFFFF  }
0x10d: {  	[hbm:s5@s0], [sflag:s28] =	dma.strided @!p0 [spmem:s10@s30], $0x30E0, s31, $0x10   }
0x10e: {  	_ =	swait.ge @!p0 [sflag:s26], $0x30E0  }
0x10f: {  	p1 =	por $0x1, $0x1;
	s30 =	rddreg [dreg:$0x6];
	[sflag:s26] =	ssyncset.done @!p0 $0x0  }
.LBB2_4:
0x110: {  	[sflag:s26] =	ssyncadd.s32 @!p0 $0xFFFFCF20  }
0x111: {  	[tilespmem:s4], [sflag:$0x1] =	stream.linear.gather [hbm4b:s30+s4], $0x4E20, $0x38;
	[tilespmem:$0x1B960] =	vst v63  }
0x112: {  	s31 =	rddreg [dreg:$0x7]  }
0x113: {  	[tilespmem:s18], [sflag:$0x1] =	stream.linear.gather [hbm4b:s31+s4], $0x4E20, $0x38;
	[tilespmem:$0x1B960] =	vst v63  }
0x114: {  	[spmem:s25], [sflag:s28] =	dma.local @!p0 [hbm:s2], $0x30E0  }
0x115: {  	_ =	swait.ge @!p0 [sflag:s26], $0x30E0  }
0x116: {  	[sflag:s26] =	ssyncset.done @!p0 $0x0  }
0x117: {  	s30 =	rddreg [dreg:$0x5];
	[sflag:s26] =	ssyncadd.s32 @!p0 $0xFFFFCF20  }
0x118: {  	[spmem:s10], [sflag:s28] =	dma.local @!p0 [hbm:s30], $0x30E0  }
0x119: {  	_ =	swait.ge @!p0 [sflag:s26], $0x30E0  }
0x11a: {  	[sflag:s26] =	ssyncset.done @!p0 $0x0  }
0x11b: {  	[sflag:s26] =	ssyncadd.s32 @!p0 $0xFFFFCF20  }
0x11c: {  	[bflag:$0x0] =	sbarrier.arrive $0xFFFF  }
0x11d: {  	_ =	swait.ge [sflag:s13], $0x4E20  }
0x11e: {  	[sflag:s13] =	ssyncset.done $0x0  }
0x11f: {  	[sflag:s13] =	ssyncadd.s32 $0xFFFFB1E0  }
0x120: {  	_ =	swait.ge [sflag:s13], $0x4E20  }
0x121: {  	[sflag:s13] =	ssyncset.done $0x0  }
0x122: {  	[sflag:s13] =	ssyncadd.s32 $0xFFFFB1E0  }
0x123: {  	[tilespmem:s19], [sflag:$0x2] =	stream.indirect.gather [hbm4b:s2+s12], $0x1, s4, s12, $0xb8;
	[tilespmem:$0x1B960] =	vst v63  }
0x124: {  	_ = 	snop  }
0x125: {  	[tilespmem:s23], [sflag:$0x4] =	stream.indirect.gather [spmem:s3], $0x1, s12, s15, $0xb8;
	[tilespmem:$0x1B960] =	vst v63  }
0x126: {  	_ =	swait.ge [sflag:s14], $0x38A0  }
0x127: {  	[sflag:s14] =	ssyncset.done $0x0  }
0x128: {  	[sflag:s14] =	ssyncadd.s32 $0xFFFFC760  }
0x129: {  	_ =	swait.ge [sflag:s11], $0x1580  }
0x12a: {  	[sflag:s11] =	ssyncset.done $0x0  }
0x12b: {  	s30 =	rddreg [dreg:$0x8];
	[sflag:s11] =	ssyncadd.s32 $0xFFFFEA80  }
0x12c: {  	[tilespmem:s4], [sflag:$0x1] =	stream.linear.gather [hbm4b:s30+s4], $0x4E20, $0x38;
	[tilespmem:$0x1B960] =	vst v63  }
0x12d: {  	s31 =	rddreg [dreg:$0x9]  }
0x12e: {  	[tilespmem:s6], [sflag:$0x1] =	stream.linear.gather [hbm4b:s31+s4], $0x4E20, $0x38;
	[tilespmem:$0x1B960] =	vst v63  }
0x12f: {  	_ = 	snop  }
0x130: {  	[spmem:s1] =	stream.indirect.scatter.add.f32 [tilespmem:s19], [sflag:$0x3], $0x1, s18, s7, $0xb8;
	[tilespmem:$0x1B960] =	vst v63  }
0x131: {  	_ =	swait.ge [sflag:s13], $0x4E20  }
0x132: {  	[sflag:s13] =	ssyncset.done $0x0  }
0x133: {  	[sflag:s13] =	ssyncadd.s32 $0xFFFFB1E0  }
0x134: {  	_ =	swait.ge [sflag:s13], $0x4E20  }
0x135: {  	[sflag:s13] =	ssyncset.done $0x0  }
0x136: {  	[sflag:s13] =	ssyncadd.s32 $0xFFFFB1E0  }
0x137: {  	[tilespmem:s8], [sflag:$0x2] =	stream.indirect.gather [hbm4b:s2+s12], $0x1, s4, s12, $0xb8;
	[tilespmem:$0x1B960] =	vst v63  }
0x138: {  	_ = 	snop  }
0x139: {  	[tilespmem:s20], [sflag:$0x4] =	stream.indirect.gather [spmem:s3], $0x1, s12, s15, $0xb8;
	[tilespmem:$0x1B960] =	vst v63  }
0x13a: {  	_ =	swait.ge [sflag:s14], $0x38A0  }
0x13b: {  	[sflag:s14] =	ssyncset.done $0x0  }
0x13c: {  	[sflag:s14] =	ssyncadd.s32 $0xFFFFC760  }
0x13d: {  	_ =	swait.ge [sflag:s11], $0x1580  }
0x13e: {  	[sflag:s11] =	ssyncset.done $0x0  }
0x13f: {  	[sflag:s11] =	ssyncadd.s32 $0xFFFFEA80  }
0x140: {  	_ =	swait.ge [sflag:s9], $0x4E20  }
0x141: {  	[sflag:s9] =	ssyncset.done $0x0  }
0x142: {  	s30 =	rddreg [dreg:$0xa];
	[sflag:s9] =	ssyncadd.s32 $0xFFFFB1E0  }
0x143: {  	[tilespmem:s4], [sflag:$0x1] =	stream.linear.gather [hbm4b:s30+s4], $0x4E20, $0x38;
	[tilespmem:$0x1B960] =	vst v63  }
0x144: {  	s31 =	rddreg [dreg:$0xb]  }
0x145: {  	[tilespmem:s18], [sflag:$0x1] =	stream.linear.gather [hbm4b:s31+s4], $0x4E20, $0x38;
	[tilespmem:$0x1B960] =	vst v63  }
0x146: {  	_ = 	snop  }
0x147: {  	[spmem:s1] =	stream.indirect.scatter.add.f32 [tilespmem:s8], [sflag:$0x3], $0x1, s6, s7, $0xb8;
	[tilespmem:$0x1B960] =	vst v63  }
0x148: {  	_ =	swait.ge [sflag:s13], $0x4E20  }
0x149: {  	[sflag:s13] =	ssyncset.done $0x0  }
0x14a: {  	[sflag:s13] =	ssyncadd.s32 $0xFFFFB1E0  }
0x14b: {  	_ =	swait.ge [sflag:s13], $0x4E20  }
0x14c: {  	[sflag:s13] =	ssyncset.done $0x0  }
0x14d: {  	[sflag:s13] =	ssyncadd.s32 $0xFFFFB1E0  }
0x14e: {  	[tilespmem:s19], [sflag:$0x2] =	stream.indirect.gather [hbm4b:s2+s12], $0x1, s4, s12, $0xb8;
	[tilespmem:$0x1B960] =	vst v63  }
0x14f: {  	_ = 	snop  }
0x150: {  	[tilespmem:s23], [sflag:$0x4] =	stream.indirect.gather [spmem:s3], $0x1, s12, s15, $0xb8;
	[tilespmem:$0x1B960] =	vst v63  }
0x151: {  	_ =	swait.ge [sflag:s14], $0x38A0  }
0x152: {  	[sflag:s14] =	ssyncset.done $0x0  }
0x153: {  	[sflag:s14] =	ssyncadd.s32 $0xFFFFC760  }
0x154: {  	_ =	swait.ge [sflag:s11], $0x1580  }
0x155: {  	[sflag:s11] =	ssyncset.done $0x0  }
0x156: {  	[sflag:s11] =	ssyncadd.s32 $0xFFFFEA80  }
0x157: {  	_ =	swait.ge [sflag:s9], $0x4E20  }
0x158: {  	[sflag:s9] =	ssyncset.done $0x0  }
0x159: {  	s30 =	rddreg [dreg:$0xc];
	[sflag:s9] =	ssyncadd.s32 $0xFFFFB1E0  }
0x15a: {  	[tilespmem:s4], [sflag:$0x1] =	stream.linear.gather [hbm4b:s30+s4], $0x4E20, $0x38;
	[tilespmem:$0x1B960] =	vst v63  }
0x15b: {  	s31 =	rddreg [dreg:$0xd]  }
0x15c: {  	[tilespmem:s6], [sflag:$0x1] =	stream.linear.gather [hbm4b:s31+s4], $0x4E20, $0x38;
	[tilespmem:$0x1B960] =	vst v63  }
0x15d: {  	_ = 	snop  }
0x15e: {  	[spmem:s1] =	stream.indirect.scatter.add.f32 [tilespmem:s19], [sflag:$0x3], $0x1, s18, s7, $0xb8;
	[tilespmem:$0x1B960] =	vst v63  }
0x15f: {  	_ =	swait.ge [sflag:s13], $0x4E20  }
0x160: {  	[sflag:s13] =	ssyncset.done $0x0  }
0x161: {  	[sflag:s13] =	ssyncadd.s32 $0xFFFFB1E0  }
0x162: {  	_ =	swait.ge [sflag:s13], $0x4E20  }
0x163: {  	[sflag:s13] =	ssyncset.done $0x0  }
0x164: {  	[sflag:s13] =	ssyncadd.s32 $0xFFFFB1E0  }
0x165: {  	[tilespmem:s8], [sflag:$0x2] =	stream.indirect.gather [hbm4b:s2+s12], $0x1, s4, s12, $0xb8;
	[tilespmem:$0x1B960] =	vst v63  }
0x166: {  	_ = 	snop  }
0x167: {  	[tilespmem:s20], [sflag:$0x4] =	stream.indirect.gather [spmem:s3], $0x1, s12, s15, $0xb8;
	[tilespmem:$0x1B960] =	vst v63  }
0x168: {  	_ =	swait.ge [sflag:s14], $0x38A0  }
0x169: {  	[sflag:s14] =	ssyncset.done $0x0  }
0x16a: {  	[sflag:s14] =	ssyncadd.s32 $0xFFFFC760  }
0x16b: {  	_ =	swait.ge [sflag:s11], $0x1580  }
0x16c: {  	[sflag:s11] =	ssyncset.done $0x0  }
0x16d: {  	[sflag:s11] =	ssyncadd.s32 $0xFFFFEA80  }
0x16e: {  	_ =	swait.ge [sflag:s9], $0x4E20  }
0x16f: {  	[sflag:s9] =	ssyncset.done $0x0  }
0x170: {  	s30 =	rddreg [dreg:$0xe];
	[sflag:s9] =	ssyncadd.s32 $0xFFFFB1E0  }
0x171: {  	[tilespmem:s4], [sflag:$0x1] =	stream.linear.gather [hbm4b:s30+s4], $0x4E20, $0x38;
	[tilespmem:$0x1B960] =	vst v63  }
0x172: {  	s31 =	rddreg [dreg:$0xf]  }
0x173: {  	[tilespmem:s18], [sflag:$0x1] =	stream.linear.gather [hbm4b:s31+s4], $0x4E20, $0x38;
	[tilespmem:$0x1B960] =	vst v63  }
0x174: {  	_ = 	snop  }
0x175: {  	[spmem:s1] =	stream.indirect.scatter.add.f32 [tilespmem:s8], [sflag:$0x3], $0x1, s6, s7, $0xb8;
	[tilespmem:$0x1B960] =	vst v63  }
0x176: {  	_ =	swait.ge [sflag:s13], $0x4E20  }
0x177: {  	[sflag:s13] =	ssyncset.done $0x0  }
0x178: {  	[sflag:s13] =	ssyncadd.s32 $0xFFFFB1E0  }
0x179: {  	_ =	swait.ge [sflag:s13], $0x4E20  }
0x17a: {  	[sflag:s13] =	ssyncset.done $0x0  }
0x17b: {  	[sflag:s13] =	ssyncadd.s32 $0xFFFFB1E0  }
0x17c: {  	[tilespmem:s19], [sflag:$0x2] =	stream.indirect.gather [hbm4b:s2+s12], $0x1, s4, s12, $0xb8;
	[tilespmem:$0x1B960] =	vst v63  }
0x17d: {  	_ = 	snop  }
0x17e: {  	[tilespmem:s23], [sflag:$0x4] =	stream.indirect.gather [spmem:s3], $0x1, s12, s15, $0xb8;
	[tilespmem:$0x1B960] =	vst v63  }
0x17f: {  	_ =	swait.ge [sflag:s14], $0x38A0  }
0x180: {  	[sflag:s14] =	ssyncset.done $0x0  }
0x181: {  	[sflag:s14] =	ssyncadd.s32 $0xFFFFC760  }
0x182: {  	_ =	swait.ge [sflag:s11], $0x1580  }
0x183: {  	[sflag:s11] =	ssyncset.done $0x0  }
0x184: {  	[sflag:s11] =	ssyncadd.s32 $0xFFFFEA80  }
0x185: {  	_ =	swait.ge [sflag:s9], $0x4E20  }
0x186: {  	[sflag:s9] =	ssyncset.done $0x0  }
0x187: {  	s30 =	rddreg [dreg:$0x10];
	[sflag:s9] =	ssyncadd.s32 $0xFFFFB1E0  }
0x188: {  	[tilespmem:s4], [sflag:$0x1] =	stream.linear.gather [hbm4b:s30+s4], $0x4E20, $0x38;
	[tilespmem:$0x1B960] =	vst v63  }
0x189: {  	s31 =	rddreg [dreg:$0x11]  }
0x18a: {  	[tilespmem:s6], [sflag:$0x1] =	stream.linear.gather [hbm4b:s31+s4], $0x4E20, $0x38;
	[tilespmem:$0x1B960] =	vst v63  }
0x18b: {  	_ = 	snop  }
0x18c: {  	[spmem:s1] =	stream.indirect.scatter.add.f32 [tilespmem:s19], [sflag:$0x3], $0x1, s18, s7, $0xb8;
	[tilespmem:$0x1B960] =	vst v63  }
0x18d: {  	_ =	swait.ge [sflag:s13], $0x4E20  }
0x18e: {  	[sflag:s13] =	ssyncset.done $0x0  }
0x18f: {  	[sflag:s13] =	ssyncadd.s32 $0xFFFFB1E0  }
0x190: {  	_ =	swait.ge [sflag:s13], $0x4E20  }
0x191: {  	[sflag:s13] =	ssyncset.done $0x0  }
0x192: {  	[sflag:s13] =	ssyncadd.s32 $0xFFFFB1E0  }
0x193: {  	[tilespmem:s8], [sflag:$0x2] =	stream.indirect.gather [hbm4b:s2+s12], $0x1, s4, s12, $0xb8;
	[tilespmem:$0x1B960] =	vst v63  }
0x194: {  	_ = 	snop  }
0x195: {  	[tilespmem:s20], [sflag:$0x4] =	stream.indirect.gather [spmem:s3], $0x1, s12, s15, $0xb8;
	[tilespmem:$0x1B960] =	vst v63  }
0x196: {  	_ =	swait.ge [sflag:s14], $0x38A0  }
0x197: {  	[sflag:s14] =	ssyncset.done $0x0  }
0x198: {  	[sflag:s14] =	ssyncadd.s32 $0xFFFFC760  }
0x199: {  	_ =	swait.ge [sflag:s11], $0x1580  }
0x19a: {  	[sflag:s11] =	ssyncset.done $0x0  }
0x19b: {  	[sflag:s11] =	ssyncadd.s32 $0xFFFFEA80  }
0x19c: {  	_ =	swait.ge [sflag:s9], $0x4E20  }
0x19d: {  	[sflag:s9] =	ssyncset.done $0x0  }
0x19e: {  	s30 =	rddreg [dreg:$0x12];
	[sflag:s9] =	ssyncadd.s32 $0xFFFFB1E0  }
0x19f: {  	[tilespmem:s4], [sflag:$0x1] =	stream.linear.gather [hbm4b:s30+s4], $0x4E20, $0x38;
	[tilespmem:$0x1B960] =	vst v63  }
0x1a0: {  	s31 =	rddreg [dreg:$0x13]  }
0x1a1: {  	[tilespmem:s18], [sflag:$0x1] =	stream.linear.gather [hbm4b:s31+s4], $0x4E20, $0x38;
	[tilespmem:$0x1B960] =	vst v63  }
0x1a2: {  	_ = 	snop  }
0x1a3: {  	[spmem:s1] =	stream.indirect.scatter.add.f32 [tilespmem:s8], [sflag:$0x3], $0x1, s6, s7, $0xb8;
	[tilespmem:$0x1B960] =	vst v63  }
0x1a4: {  	_ =	swait.ge [sflag:s13], $0x4E20  }
0x1a5: {  	[sflag:s13] =	ssyncset.done $0x0  }
0x1a6: {  	[sflag:s13] =	ssyncadd.s32 $0xFFFFB1E0  }
0x1a7: {  	_ =	swait.ge [sflag:s13], $0x4E20  }
0x1a8: {  	[sflag:s13] =	ssyncset.done $0x0  }
0x1a9: {  	[sflag:s13] =	ssyncadd.s32 $0xFFFFB1E0  }
0x1aa: {  	[tilespmem:s19], [sflag:$0x2] =	stream.indirect.gather [hbm4b:s2+s12], $0x1, s4, s12, $0xb8;
	[tilespmem:$0x1B960] =	vst v63  }
0x1ab: {  	_ = 	snop  }
0x1ac: {  	[tilespmem:s23], [sflag:$0x4] =	stream.indirect.gather [spmem:s3], $0x1, s12, s15, $0xb8;
	[tilespmem:$0x1B960] =	vst v63  }
0x1ad: {  	_ =	swait.ge [sflag:s14], $0x38A0  }
0x1ae: {  	[sflag:s14] =	ssyncset.done $0x0  }
0x1af: {  	[sflag:s14] =	ssyncadd.s32 $0xFFFFC760  }
0x1b0: {  	_ =	swait.ge [sflag:s11], $0x1580  }
0x1b1: {  	[sflag:s11] =	ssyncset.done $0x0  }
0x1b2: {  	[sflag:s11] =	ssyncadd.s32 $0xFFFFEA80  }
0x1b3: {  	_ =	swait.ge [sflag:s9], $0x4E20  }
0x1b4: {  	[sflag:s9] =	ssyncset.done $0x0  }
0x1b5: {  	s30 =	rddreg [dreg:$0x14];
	[sflag:s9] =	ssyncadd.s32 $0xFFFFB1E0  }
0x1b6: {  	[tilespmem:s4], [sflag:$0x1] =	stream.linear.gather [hbm4b:s30+s4], $0x4E20, $0x38;
	[tilespmem:$0x1B960] =	vst v63  }
0x1b7: {  	_ = 	snop  }
0x1b8: {  	[tilespmem:s6], [sflag:$0x1] =	stream.linear.gather [hbm4b:s24+s4], $0x4E20, $0x38;
	[tilespmem:$0x1B960] =	vst v63  }
0x1b9: {  	_ = 	snop  }
0x1ba: {  	[spmem:s1] =	stream.indirect.scatter.add.f32 [tilespmem:s19], [sflag:$0x3], $0x1, s18, s7, $0xb8;
	[tilespmem:$0x1B960] =	vst v63  }
0x1bb: {  	_ =	swait.ge [sflag:s13], $0x4E20  }
0x1bc: {  	[sflag:s13] =	ssyncset.done $0x0  }
0x1bd: {  	[sflag:s13] =	ssyncadd.s32 $0xFFFFB1E0  }
0x1be: {  	_ =	swait.ge [sflag:s13], $0x4E20  }
0x1bf: {  	[sflag:s13] =	ssyncset.done $0x0  }
0x1c0: {  	[sflag:s13] =	ssyncadd.s32 $0xFFFFB1E0  }
0x1c1: {  	[tilespmem:s8], [sflag:$0x2] =	stream.indirect.gather [hbm4b:s2+s12], $0x1, s4, s12, $0xb8;
	[tilespmem:$0x1B960] =	vst v63  }
0x1c2: {  	_ = 	snop  }
0x1c3: {  	[tilespmem:s20], [sflag:$0x4] =	stream.indirect.gather [spmem:s3], $0x1, s12, s15, $0xb8;
	[tilespmem:$0x1B960] =	vst v63  }
0x1c4: {  	_ =	swait.ge [sflag:s14], $0x38A0  }
0x1c5: {  	[sflag:s14] =	ssyncset.done $0x0  }
0x1c6: {  	[sflag:s14] =	ssyncadd.s32 $0xFFFFC760  }
0x1c7: {  	_ =	swait.ge [sflag:s11], $0x1580  }
0x1c8: {  	[sflag:s11] =	ssyncset.done $0x0  }
0x1c9: {  	[sflag:s11] =	ssyncadd.s32 $0xFFFFEA80  }
0x1ca: {  	_ =	swait.ge [sflag:s9], $0x4E20  }
0x1cb: {  	[sflag:s9] =	ssyncset.done $0x0  }
0x1cc: {  	[sflag:s9] =	ssyncadd.s32 $0xFFFFB1E0  }
0x1cd: {  	[tilespmem:s4], [sflag:$0x1] =	stream.linear.gather [hbm4b:s21+s4], $0x4E20, $0x38;
	[tilespmem:$0x1B960] =	vst v63  }
0x1ce: {  	_ = 	snop  }
0x1cf: {  	[tilespmem:s18], [sflag:$0x1] =	stream.linear.gather [hbm4b:s22+s4], $0x4E20, $0x38;
	[tilespmem:$0x1B960] =	vst v63  }
0x1d0: {  	_ = 	snop  }
0x1d1: {  	[spmem:s1] =	stream.indirect.scatter.add.f32 [tilespmem:s8], [sflag:$0x3], $0x1, s6, s7, $0xb8;
	[tilespmem:$0x1B960] =	vst v63  }
0x1d2: {  	_ =	swait.ge [sflag:s13], $0x4E20  }
0x1d3: {  	[sflag:s13] =	ssyncset.done $0x0  }
0x1d4: {  	[sflag:s13] =	ssyncadd.s32 $0xFFFFB1E0  }
0x1d5: {  	_ =	swait.ge [sflag:s13], $0x4E20  }
0x1d6: {  	[sflag:s13] =	ssyncset.done $0x0  }
0x1d7: {  	[sflag:s13] =	ssyncadd.s32 $0xFFFFB1E0  }
0x1d8: {  	[tilespmem:s19], [sflag:$0x2] =	stream.indirect.gather [hbm4b:s2+s12], $0x1, s4, s12, $0xb8;
	[tilespmem:$0x1B960] =	vst v63  }
0x1d9: {  	_ = 	snop  }
0x1da: {  	[tilespmem:s23], [sflag:$0x4] =	stream.indirect.gather [spmem:s3], $0x1, s12, s15, $0xb8;
	[tilespmem:$0x1B960] =	vst v63  }
0x1db: {  	_ =	swait.ge [sflag:s14], $0x38A0  }
0x1dc: {  	[sflag:s14] =	ssyncset.done $0x0  }
0x1dd: {  	[sflag:s14] =	ssyncadd.s32 $0xFFFFC760  }
0x1de: {  	_ =	swait.ge [sflag:s11], $0x1580  }
0x1df: {  	[sflag:s11] =	ssyncset.done $0x0  }
0x1e0: {  	[sflag:s11] =	ssyncadd.s32 $0xFFFFEA80  }
0x1e1: {  	_ =	swait.ge [sflag:s9], $0x4E20  }
0x1e2: {  	[sflag:s9] =	ssyncset.done $0x0  }
0x1e3: {  	[sflag:s9] =	ssyncadd.s32 $0xFFFFB1E0  }
0x1e4: {  	[tilespmem:s4], [sflag:$0x1] =	stream.linear.gather [hbm4b:s16+s4], $0x4E20, $0x38;
	[tilespmem:$0x1B960] =	vst v63  }
0x1e5: {  	_ = 	snop  }
0x1e6: {  	[tilespmem:s6], [sflag:$0x1] =	stream.linear.gather [hbm4b:s17+s4], $0x4E20, $0x38;
	[tilespmem:$0x1B960] =	vst v63  }
0x1e7: {  	_ = 	snop  }
0x1e8: {  	[spmem:s1] =	stream.indirect.scatter.add.f32 [tilespmem:s19], [sflag:$0x3], $0x1, s18, s7, $0xb8;
	[tilespmem:$0x1B960] =	vst v63  }
0x1e9: {  	_ =	swait.ge [sflag:s13], $0x4E20  }
0x1ea: {  	[sflag:s13] =	ssyncset.done $0x0  }
0x1eb: {  	[sflag:s13] =	ssyncadd.s32 $0xFFFFB1E0  }
0x1ec: {  	_ =	swait.ge [sflag:s13], $0x4E20  }
0x1ed: {  	[sflag:s13] =	ssyncset.done $0x0  }
0x1ee: {  	[sflag:s13] =	ssyncadd.s32 $0xFFFFB1E0  }
0x1ef: {  	[tilespmem:s8], [sflag:$0x2] =	stream.indirect.gather [hbm4b:s2+s12], $0x1, s4, s12, $0xb8;
	[tilespmem:$0x1B960] =	vst v63  }
0x1f0: {  	_ = 	snop  }
0x1f1: {  	[tilespmem:s20], [sflag:$0x4] =	stream.indirect.gather [spmem:s3], $0x1, s12, s15, $0xb8;
	[tilespmem:$0x1B960] =	vst v63  }
0x1f2: {  	_ =	swait.ge [sflag:s14], $0x38A0  }
0x1f3: {  	[sflag:s14] =	ssyncset.done $0x0  }
0x1f4: {  	[sflag:s14] =	ssyncadd.s32 $0xFFFFC760  }
0x1f5: {  	_ =	swait.ge [sflag:s11], $0x1580  }
0x1f6: {  	[sflag:s11] =	ssyncset.done $0x0  }
0x1f7: {  	[sflag:s11] =	ssyncadd.s32 $0xFFFFEA80  }
0x1f8: {  	_ =	swait.ge [sflag:s9], $0x4E20  }
0x1f9: {  	[sflag:s9] =	ssyncset.done $0x0  }
0x1fa: {  	[sflag:s9] =	ssyncadd.s32 $0xFFFFB1E0  }
0x1fb: {  	[spmem:s1] =	stream.indirect.scatter.add.f32 [tilespmem:s8], [sflag:$0x3], $0x1, s6, s7, $0xb8;
	[tilespmem:$0x1B960] =	vst v63  }
0x1fc: {  	s29 =	sadd.s32 $0xFFFFFFFF, s29;
	_ =	swait.ge [sflag:s9], $0x4E20  }
0x1fd: {  	p2 =	sne.s32 s29, $0x0;
	[sflag:s9] =	ssyncset.done $0x0  }
.Ltmp2:
0x1fe: {  	[sflag:s9] =	ssyncadd.s32 $0xFFFFB1E0;
	(pc) =	sbr.rel @p2 .LBB2_4-.Ltmp2, $4  }
0x1ff: {  	s31 =	simm.s32 @!p0 $0x1;
	s30 =	simm.s32 @!p0 $0x10;
	[bflag:$0x0] =	sbarrier.arrive $0xFFFF  }
0x200: {  	[hbm:s5@s0], [sflag:s28] =	dma.strided @!p0 [spmem:s10@s30], $0x30E0, s31, $0x10   }
0x201: {  	_ =	swait.ge @!p0 [sflag:s26], $0x30E0  }
0x202: {  	s30 =	rddreg [dreg:$0x6];
	[sflag:s26] =	ssyncset.done @!p0 $0x0  }
0x203: {  	s29 =	rddreg [dreg:$0x4]  }
.LBB2_6:
0x204: {  	p1 =	por p0, !p1  }
0x205: {  	[sflag:s26] =	ssyncadd.s32 @!p1 $0xFFFFCF20  }
0x206: {  	[tilespmem:s4], [sflag:$0x1] =	stream.linear.gather [hbm4b:s30+s4], $0x4E20, $0x38;
	[tilespmem:$0x1B960] =	vst v63  }
0x207: {  	s0 =	rddreg [dreg:$0x7]  }
0x208: {  	[tilespmem:s18], [sflag:$0x1] =	stream.linear.gather [hbm4b:s0+s4], $0x4E20, $0x38;
	[tilespmem:$0x1B960] =	vst v63  }
0x209: {  	s26 =	simm.s32 @!p0 $0x1C04;
	s0 =	simm.s32 @!p0 $0x4  }
0x20a: {  	[spmem:s25], [sflag:s26] =	dma.local @!p0 [hbm:s2], $0x30E0  }
0x20b: {  	_ =	swait.ge @!p0 [sflag:s0], $0x30E0  }
0x20c: {  	[sflag:s0] =	ssyncset.done @!p0 $0x0  }
0x20d: {  	s25 =	rddreg [dreg:$0x5];
	[sflag:s0] =	ssyncadd.s32 @!p0 $0xFFFFCF20  }
0x20e: {  	[spmem:s10], [sflag:s26] =	dma.local @!p0 [hbm:s25], $0x30E0  }
0x20f: {  	_ =	swait.ge @!p0 [sflag:s0], $0x30E0  }
0x210: {  	[sflag:s0] =	ssyncset.done @!p0 $0x0  }
0x211: {  	[sflag:s0] =	ssyncadd.s32 @!p0 $0xFFFFCF20  }
0x212: {  	[bflag:$0x0] =	sbarrier.arrive $0xFFFF  }
0x213: {  	_ =	swait.ge [sflag:s13], $0x4E20  }
0x214: {  	[sflag:s13] =	ssyncset.done $0x0  }
0x215: {  	[sflag:s13] =	ssyncadd.s32 $0xFFFFB1E0  }
0x216: {  	_ =	swait.ge [sflag:s13], $0x4E20  }
0x217: {  	[sflag:s13] =	ssyncset.done $0x0  }
0x218: {  	[sflag:s13] =	ssyncadd.s32 $0xFFFFB1E0  }
0x219: {  	[tilespmem:s19], [sflag:$0x2] =	stream.indirect.gather [hbm4b:s2+s12], $0x1, s4, s12, $0xb8;
	[tilespmem:$0x1B960] =	vst v63  }
0x21a: {  	_ = 	snop  }
0x21b: {  	[tilespmem:s23], [sflag:$0x4] =	stream.indirect.gather [spmem:s3], $0x1, s12, s15, $0xb8;
	[tilespmem:$0x1B960] =	vst v63  }
0x21c: {  	_ =	swait.ge [sflag:s14], $0x38A0  }
0x21d: {  	[sflag:s14] =	ssyncset.done $0x0  }
0x21e: {  	[sflag:s14] =	ssyncadd.s32 $0xFFFFC760  }
0x21f: {  	_ =	swait.ge [sflag:s11], $0x1580  }
0x220: {  	[sflag:s11] =	ssyncset.done $0x0  }
0x221: {  	s30 =	rddreg [dreg:$0x8];
	[sflag:s11] =	ssyncadd.s32 $0xFFFFEA80  }
0x222: {  	[tilespmem:s4], [sflag:$0x1] =	stream.linear.gather [hbm4b:s30+s4], $0x4E20, $0x38;
	[tilespmem:$0x1B960] =	vst v63  }
0x223: {  	s28 =	rddreg [dreg:$0x9]  }
0x224: {  	[tilespmem:s6], [sflag:$0x1] =	stream.linear.gather [hbm4b:s28+s4], $0x4E20, $0x38;
	[tilespmem:$0x1B960] =	vst v63  }
0x225: {  	_ = 	snop  }
0x226: {  	[spmem:s1] =	stream.indirect.scatter.add.f32 [tilespmem:s19], [sflag:$0x3], $0x1, s18, s7, $0xb8;
	[tilespmem:$0x1B960] =	vst v63  }
0x227: {  	_ =	swait.ge [sflag:s13], $0x4E20  }
0x228: {  	[sflag:s13] =	ssyncset.done $0x0  }
0x229: {  	[sflag:s13] =	ssyncadd.s32 $0xFFFFB1E0  }
0x22a: {  	_ =	swait.ge [sflag:s13], $0x4E20  }
0x22b: {  	[sflag:s13] =	ssyncset.done $0x0  }
0x22c: {  	[sflag:s13] =	ssyncadd.s32 $0xFFFFB1E0  }
0x22d: {  	[tilespmem:s8], [sflag:$0x2] =	stream.indirect.gather [hbm4b:s2+s12], $0x1, s4, s12, $0xb8;
	[tilespmem:$0x1B960] =	vst v63  }
0x22e: {  	_ = 	snop  }
0x22f: {  	[tilespmem:s20], [sflag:$0x4] =	stream.indirect.gather [spmem:s3], $0x1, s12, s15, $0xb8;
	[tilespmem:$0x1B960] =	vst v63  }
0x230: {  	_ =	swait.ge [sflag:s14], $0x38A0  }
0x231: {  	[sflag:s14] =	ssyncset.done $0x0  }
0x232: {  	[sflag:s14] =	ssyncadd.s32 $0xFFFFC760  }
0x233: {  	_ =	swait.ge [sflag:s11], $0x1580  }
0x234: {  	[sflag:s11] =	ssyncset.done $0x0  }
0x235: {  	[sflag:s11] =	ssyncadd.s32 $0xFFFFEA80  }
0x236: {  	_ =	swait.ge [sflag:s9], $0x4E20  }
0x237: {  	[sflag:s9] =	ssyncset.done $0x0  }
0x238: {  	s31 =	rddreg [dreg:$0xa];
	[sflag:s9] =	ssyncadd.s32 $0xFFFFB1E0  }
0x239: {  	[tilespmem:s4], [sflag:$0x1] =	stream.linear.gather [hbm4b:s31+s4], $0x4E20, $0x38;
	[tilespmem:$0x1B960] =	vst v63  }
0x23a: {  	s30 =	rddreg [dreg:$0xb]  }
0x23b: {  	[tilespmem:s18], [sflag:$0x1] =	stream.linear.gather [hbm4b:s30+s4], $0x4E20, $0x38;
	[tilespmem:$0x1B960] =	vst v63  }
0x23c: {  	_ = 	snop  }
0x23d: {  	[spmem:s1] =	stream.indirect.scatter.add.f32 [tilespmem:s8], [sflag:$0x3], $0x1, s6, s7, $0xb8;
	[tilespmem:$0x1B960] =	vst v63  }
0x23e: {  	_ =	swait.ge [sflag:s13], $0x4E20  }
0x23f: {  	[sflag:s13] =	ssyncset.done $0x0  }
0x240: {  	[sflag:s13] =	ssyncadd.s32 $0xFFFFB1E0  }
0x241: {  	_ =	swait.ge [sflag:s13], $0x4E20  }
0x242: {  	[sflag:s13] =	ssyncset.done $0x0  }
0x243: {  	[sflag:s13] =	ssyncadd.s32 $0xFFFFB1E0  }
0x244: {  	[tilespmem:s19], [sflag:$0x2] =	stream.indirect.gather [hbm4b:s2+s12], $0x1, s4, s12, $0xb8;
	[tilespmem:$0x1B960] =	vst v63  }
0x245: {  	_ = 	snop  }
0x246: {  	[tilespmem:s23], [sflag:$0x4] =	stream.indirect.gather [spmem:s3], $0x1, s12, s15, $0xb8;
	[tilespmem:$0x1B960] =	vst v63  }
0x247: {  	_ =	swait.ge [sflag:s14], $0x38A0  }
0x248: {  	[sflag:s14] =	ssyncset.done $0x0  }
0x249: {  	[sflag:s14] =	ssyncadd.s32 $0xFFFFC760  }
0x24a: {  	_ =	swait.ge [sflag:s11], $0x1580  }
0x24b: {  	[sflag:s11] =	ssyncset.done $0x0  }
0x24c: {  	[sflag:s11] =	ssyncadd.s32 $0xFFFFEA80  }
0x24d: {  	_ =	swait.ge [sflag:s9], $0x4E20  }
0x24e: {  	[sflag:s9] =	ssyncset.done $0x0  }
0x24f: {  	s31 =	rddreg [dreg:$0xc];
	[sflag:s9] =	ssyncadd.s32 $0xFFFFB1E0  }
0x250: {  	[tilespmem:s4], [sflag:$0x1] =	stream.linear.gather [hbm4b:s31+s4], $0x4E20, $0x38;
	[tilespmem:$0x1B960] =	vst v63  }
0x251: {  	s30 =	rddreg [dreg:$0xd]  }
0x252: {  	[tilespmem:s6], [sflag:$0x1] =	stream.linear.gather [hbm4b:s30+s4], $0x4E20, $0x38;
	[tilespmem:$0x1B960] =	vst v63  }
0x253: {  	_ = 	snop  }
0x254: {  	[spmem:s1] =	stream.indirect.scatter.add.f32 [tilespmem:s19], [sflag:$0x3], $0x1, s18, s7, $0xb8;
	[tilespmem:$0x1B960] =	vst v63  }
0x255: {  	_ =	swait.ge [sflag:s13], $0x4E20  }
0x256: {  	[sflag:s13] =	ssyncset.done $0x0  }
0x257: {  	[sflag:s13] =	ssyncadd.s32 $0xFFFFB1E0  }
0x258: {  	_ =	swait.ge [sflag:s13], $0x4E20  }
0x259: {  	[sflag:s13] =	ssyncset.done $0x0  }
0x25a: {  	[sflag:s13] =	ssyncadd.s32 $0xFFFFB1E0  }
0x25b: {  	[tilespmem:s8], [sflag:$0x2] =	stream.indirect.gather [hbm4b:s2+s12], $0x1, s4, s12, $0xb8;
	[tilespmem:$0x1B960] =	vst v63  }
0x25c: {  	_ = 	snop  }
0x25d: {  	[tilespmem:s20], [sflag:$0x4] =	stream.indirect.gather [spmem:s3], $0x1, s12, s15, $0xb8;
	[tilespmem:$0x1B960] =	vst v63  }
0x25e: {  	_ =	swait.ge [sflag:s14], $0x38A0  }
0x25f: {  	[sflag:s14] =	ssyncset.done $0x0  }
0x260: {  	[sflag:s14] =	ssyncadd.s32 $0xFFFFC760  }
0x261: {  	_ =	swait.ge [sflag:s11], $0x1580  }
0x262: {  	[sflag:s11] =	ssyncset.done $0x0  }
0x263: {  	[sflag:s11] =	ssyncadd.s32 $0xFFFFEA80  }
0x264: {  	_ =	swait.ge [sflag:s9], $0x4E20  }
0x265: {  	[sflag:s9] =	ssyncset.done $0x0  }
0x266: {  	s31 =	rddreg [dreg:$0xe];
	[sflag:s9] =	ssyncadd.s32 $0xFFFFB1E0  }
0x267: {  	[tilespmem:s4], [sflag:$0x1] =	stream.linear.gather [hbm4b:s31+s4], $0x4E20, $0x38;
	[tilespmem:$0x1B960] =	vst v63  }
0x268: {  	s30 =	rddreg [dreg:$0xf]  }
0x269: {  	[tilespmem:s18], [sflag:$0x1] =	stream.linear.gather [hbm4b:s30+s4], $0x4E20, $0x38;
	[tilespmem:$0x1B960] =	vst v63  }
0x26a: {  	_ = 	snop  }
0x26b: {  	[spmem:s1] =	stream.indirect.scatter.add.f32 [tilespmem:s8], [sflag:$0x3], $0x1, s6, s7, $0xb8;
	[tilespmem:$0x1B960] =	vst v63  }
0x26c: {  	_ =	swait.ge [sflag:s13], $0x4E20  }
0x26d: {  	[sflag:s13] =	ssyncset.done $0x0  }
0x26e: {  	[sflag:s13] =	ssyncadd.s32 $0xFFFFB1E0  }
0x26f: {  	_ =	swait.ge [sflag:s13], $0x4E20  }
0x270: {  	[sflag:s13] =	ssyncset.done $0x0  }
0x271: {  	[sflag:s13] =	ssyncadd.s32 $0xFFFFB1E0  }
0x272: {  	[tilespmem:s19], [sflag:$0x2] =	stream.indirect.gather [hbm4b:s2+s12], $0x1, s4, s12, $0xb8;
	[tilespmem:$0x1B960] =	vst v63  }
0x273: {  	_ = 	snop  }
0x274: {  	[tilespmem:s23], [sflag:$0x4] =	stream.indirect.gather [spmem:s3], $0x1, s12, s15, $0xb8;
	[tilespmem:$0x1B960] =	vst v63  }
0x275: {  	_ =	swait.ge [sflag:s14], $0x38A0  }
0x276: {  	[sflag:s14] =	ssyncset.done $0x0  }
0x277: {  	[sflag:s14] =	ssyncadd.s32 $0xFFFFC760  }
0x278: {  	_ =	swait.ge [sflag:s11], $0x1580  }
0x279: {  	[sflag:s11] =	ssyncset.done $0x0  }
0x27a: {  	[sflag:s11] =	ssyncadd.s32 $0xFFFFEA80  }
0x27b: {  	_ =	swait.ge [sflag:s9], $0x4E20  }
0x27c: {  	[sflag:s9] =	ssyncset.done $0x0  }
0x27d: {  	s31 =	rddreg [dreg:$0x10];
	[sflag:s9] =	ssyncadd.s32 $0xFFFFB1E0  }
0x27e: {  	[tilespmem:s4], [sflag:$0x1] =	stream.linear.gather [hbm4b:s31+s4], $0x4E20, $0x38;
	[tilespmem:$0x1B960] =	vst v63  }
0x27f: {  	s30 =	rddreg [dreg:$0x11]  }
0x280: {  	[tilespmem:s6], [sflag:$0x1] =	stream.linear.gather [hbm4b:s30+s4], $0x4E20, $0x38;
	[tilespmem:$0x1B960] =	vst v63  }
0x281: {  	_ = 	snop  }
0x282: {  	[spmem:s1] =	stream.indirect.scatter.add.f32 [tilespmem:s19], [sflag:$0x3], $0x1, s18, s7, $0xb8;
	[tilespmem:$0x1B960] =	vst v63  }
0x283: {  	_ =	swait.ge [sflag:s13], $0x4E20  }
0x284: {  	[sflag:s13] =	ssyncset.done $0x0  }
0x285: {  	[sflag:s13] =	ssyncadd.s32 $0xFFFFB1E0  }
0x286: {  	_ =	swait.ge [sflag:s13], $0x4E20  }
0x287: {  	[sflag:s13] =	ssyncset.done $0x0  }
0x288: {  	[sflag:s13] =	ssyncadd.s32 $0xFFFFB1E0  }
0x289: {  	[tilespmem:s8], [sflag:$0x2] =	stream.indirect.gather [hbm4b:s2+s12], $0x1, s4, s12, $0xb8;
	[tilespmem:$0x1B960] =	vst v63  }
0x28a: {  	_ = 	snop  }
0x28b: {  	[tilespmem:s20], [sflag:$0x4] =	stream.indirect.gather [spmem:s3], $0x1, s12, s15, $0xb8;
	[tilespmem:$0x1B960] =	vst v63  }
0x28c: {  	_ =	swait.ge [sflag:s14], $0x38A0  }
0x28d: {  	[sflag:s14] =	ssyncset.done $0x0  }
0x28e: {  	[sflag:s14] =	ssyncadd.s32 $0xFFFFC760  }
0x28f: {  	_ =	swait.ge [sflag:s11], $0x1580  }
0x290: {  	[sflag:s11] =	ssyncset.done $0x0  }
0x291: {  	[sflag:s11] =	ssyncadd.s32 $0xFFFFEA80  }
0x292: {  	_ =	swait.ge [sflag:s9], $0x4E20  }
0x293: {  	[sflag:s9] =	ssyncset.done $0x0  }
0x294: {  	s31 =	rddreg [dreg:$0x12];
	[sflag:s9] =	ssyncadd.s32 $0xFFFFB1E0  }
0x295: {  	[tilespmem:s4], [sflag:$0x1] =	stream.linear.gather [hbm4b:s31+s4], $0x4E20, $0x38;
	[tilespmem:$0x1B960] =	vst v63  }
0x296: {  	s30 =	rddreg [dreg:$0x13]  }
0x297: {  	[tilespmem:s18], [sflag:$0x1] =	stream.linear.gather [hbm4b:s30+s4], $0x4E20, $0x38;
	[tilespmem:$0x1B960] =	vst v63  }
0x298: {  	_ = 	snop  }
0x299: {  	[spmem:s1] =	stream.indirect.scatter.add.f32 [tilespmem:s8], [sflag:$0x3], $0x1, s6, s7, $0xb8;
	[tilespmem:$0x1B960] =	vst v63  }
0x29a: {  	_ =	swait.ge [sflag:s13], $0x4E20  }
0x29b: {  	[sflag:s13] =	ssyncset.done $0x0  }
0x29c: {  	[sflag:s13] =	ssyncadd.s32 $0xFFFFB1E0  }
0x29d: {  	_ =	swait.ge [sflag:s13], $0x4E20  }
0x29e: {  	[sflag:s13] =	ssyncset.done $0x0  }
0x29f: {  	[sflag:s13] =	ssyncadd.s32 $0xFFFFB1E0  }
0x2a0: {  	[tilespmem:s19], [sflag:$0x2] =	stream.indirect.gather [hbm4b:s2+s12], $0x1, s4, s12, $0xb8;
	[tilespmem:$0x1B960] =	vst v63  }
0x2a1: {  	_ = 	snop  }
0x2a2: {  	[tilespmem:s23], [sflag:$0x4] =	stream.indirect.gather [spmem:s3], $0x1, s12, s15, $0xb8;
	[tilespmem:$0x1B960] =	vst v63  }
0x2a3: {  	_ =	swait.ge [sflag:s14], $0x38A0  }
0x2a4: {  	[sflag:s14] =	ssyncset.done $0x0  }
0x2a5: {  	[sflag:s14] =	ssyncadd.s32 $0xFFFFC760  }
0x2a6: {  	_ =	swait.ge [sflag:s11], $0x1580  }
0x2a7: {  	[sflag:s11] =	ssyncset.done $0x0  }
0x2a8: {  	[sflag:s11] =	ssyncadd.s32 $0xFFFFEA80  }
0x2a9: {  	_ =	swait.ge [sflag:s9], $0x4E20  }
0x2aa: {  	[sflag:s9] =	ssyncset.done $0x0  }
0x2ab: {  	s31 =	rddreg [dreg:$0x14];
	[sflag:s9] =	ssyncadd.s32 $0xFFFFB1E0  }
0x2ac: {  	[tilespmem:s4], [sflag:$0x1] =	stream.linear.gather [hbm4b:s31+s4], $0x4E20, $0x38;
	[tilespmem:$0x1B960] =	vst v63  }
0x2ad: {  	_ = 	snop  }
0x2ae: {  	[tilespmem:s6], [sflag:$0x1] =	stream.linear.gather [hbm4b:s24+s4], $0x4E20, $0x38;
	[tilespmem:$0x1B960] =	vst v63  }
0x2af: {  	_ = 	snop  }
0x2b0: {  	[spmem:s1] =	stream.indirect.scatter.add.f32 [tilespmem:s19], [sflag:$0x3], $0x1, s18, s7, $0xb8;
	[tilespmem:$0x1B960] =	vst v63  }
0x2b1: {  	_ =	swait.ge [sflag:s13], $0x4E20  }
0x2b2: {  	[sflag:s13] =	ssyncset.done $0x0  }
0x2b3: {  	[sflag:s13] =	ssyncadd.s32 $0xFFFFB1E0  }
0x2b4: {  	_ =	swait.ge [sflag:s13], $0x4E20  }
0x2b5: {  	[sflag:s13] =	ssyncset.done $0x0  }
0x2b6: {  	[sflag:s13] =	ssyncadd.s32 $0xFFFFB1E0  }
0x2b7: {  	[tilespmem:s8], [sflag:$0x2] =	stream.indirect.gather [hbm4b:s2+s12], $0x1, s4, s12, $0xb8;
	[tilespmem:$0x1B960] =	vst v63  }
0x2b8: {  	_ = 	snop  }
0x2b9: {  	[tilespmem:s20], [sflag:$0x4] =	stream.indirect.gather [spmem:s3], $0x1, s12, s15, $0xb8;
	[tilespmem:$0x1B960] =	vst v63  }
0x2ba: {  	_ =	swait.ge [sflag:s14], $0x38A0  }
0x2bb: {  	[sflag:s14] =	ssyncset.done $0x0  }
0x2bc: {  	[sflag:s14] =	ssyncadd.s32 $0xFFFFC760  }
0x2bd: {  	_ =	swait.ge [sflag:s11], $0x1580  }
0x2be: {  	[sflag:s11] =	ssyncset.done $0x0  }
0x2bf: {  	[sflag:s11] =	ssyncadd.s32 $0xFFFFEA80  }
0x2c0: {  	_ =	swait.ge [sflag:s9], $0x4E20  }
0x2c1: {  	[sflag:s9] =	ssyncset.done $0x0  }
0x2c2: {  	[sflag:s9] =	ssyncadd.s32 $0xFFFFB1E0  }
0x2c3: {  	[tilespmem:s4], [sflag:$0x1] =	stream.linear.gather [hbm4b:s21+s4], $0x4E20, $0x38;
	[tilespmem:$0x1B960] =	vst v63  }
0x2c4: {  	_ = 	snop  }
0x2c5: {  	[tilespmem:s18], [sflag:$0x1] =	stream.linear.gather [hbm4b:s22+s4], $0x4E20, $0x38;
	[tilespmem:$0x1B960] =	vst v63  }
0x2c6: {  	_ = 	snop  }
0x2c7: {  	[spmem:s1] =	stream.indirect.scatter.add.f32 [tilespmem:s8], [sflag:$0x3], $0x1, s6, s7, $0xb8;
	[tilespmem:$0x1B960] =	vst v63  }
0x2c8: {  	_ =	swait.ge [sflag:s13], $0x4E20  }
0x2c9: {  	[sflag:s13] =	ssyncset.done $0x0  }
0x2ca: {  	[sflag:s13] =	ssyncadd.s32 $0xFFFFB1E0  }
0x2cb: {  	_ =	swait.ge [sflag:s13], $0x4E20  }
0x2cc: {  	[sflag:s13] =	ssyncset.done $0x0  }
0x2cd: {  	[sflag:s13] =	ssyncadd.s32 $0xFFFFB1E0  }
0x2ce: {  	[tilespmem:s19], [sflag:$0x2] =	stream.indirect.gather [hbm4b:s2+s12], $0x1, s4, s12, $0xb8;
	[tilespmem:$0x1B960] =	vst v63  }
0x2cf: {  	_ = 	snop  }
0x2d0: {  	[tilespmem:s23], [sflag:$0x4] =	stream.indirect.gather [spmem:s3], $0x1, s12, s15, $0xb8;
	[tilespmem:$0x1B960] =	vst v63  }
0x2d1: {  	_ =	swait.ge [sflag:s14], $0x38A0  }
0x2d2: {  	[sflag:s14] =	ssyncset.done $0x0  }
0x2d3: {  	[sflag:s14] =	ssyncadd.s32 $0xFFFFC760  }
0x2d4: {  	_ =	swait.ge [sflag:s11], $0x1580  }
0x2d5: {  	[sflag:s11] =	ssyncset.done $0x0  }
0x2d6: {  	[sflag:s11] =	ssyncadd.s32 $0xFFFFEA80  }
0x2d7: {  	_ =	swait.ge [sflag:s9], $0x4E20  }
0x2d8: {  	[sflag:s9] =	ssyncset.done $0x0  }
0x2d9: {  	[sflag:s9] =	ssyncadd.s32 $0xFFFFB1E0  }
0x2da: {  	[tilespmem:s4], [sflag:$0x1] =	stream.linear.gather [hbm4b:s16+s4], $0x4E20, $0x38;
	[tilespmem:$0x1B960] =	vst v63  }
0x2db: {  	_ = 	snop  }
0x2dc: {  	[tilespmem:s6], [sflag:$0x1] =	stream.linear.gather [hbm4b:s17+s4], $0x4E20, $0x38;
	[tilespmem:$0x1B960] =	vst v63  }
0x2dd: {  	_ = 	snop  }
0x2de: {  	[spmem:s1] =	stream.indirect.scatter.add.f32 [tilespmem:s19], [sflag:$0x3], $0x1, s18, s7, $0xb8;
	[tilespmem:$0x1B960] =	vst v63  }
0x2df: {  	_ =	swait.ge [sflag:s13], $0x4E20  }
0x2e0: {  	[sflag:s13] =	ssyncset.done $0x0  }
0x2e1: {  	[sflag:s13] =	ssyncadd.s32 $0xFFFFB1E0  }
0x2e2: {  	_ =	swait.ge [sflag:s13], $0x4E20  }
0x2e3: {  	[sflag:s13] =	ssyncset.done $0x0  }
0x2e4: {  	[sflag:s13] =	ssyncadd.s32 $0xFFFFB1E0  }
0x2e5: {  	[tilespmem:s8], [sflag:$0x2] =	stream.indirect.gather [hbm4b:s2+s12], $0x1, s4, s12, $0xb8;
	[tilespmem:$0x1B960] =	vst v63  }
0x2e6: {  	_ = 	snop  }
0x2e7: {  	[tilespmem:s20], [sflag:$0x4] =	stream.indirect.gather [spmem:s3], $0x1, s12, s15, $0xb8;
	[tilespmem:$0x1B960] =	vst v63  }
0x2e8: {  	_ =	swait.ge [sflag:s14], $0x38A0  }
0x2e9: {  	[sflag:s14] =	ssyncset.done $0x0  }
0x2ea: {  	[sflag:s14] =	ssyncadd.s32 $0xFFFFC760  }
0x2eb: {  	_ =	swait.ge [sflag:s11], $0x1580  }
0x2ec: {  	[sflag:s11] =	ssyncset.done $0x0  }
0x2ed: {  	[sflag:s11] =	ssyncadd.s32 $0xFFFFEA80  }
0x2ee: {  	_ =	swait.ge [sflag:s9], $0x4E20  }
0x2ef: {  	[sflag:s9] =	ssyncset.done $0x0  }
0x2f0: {  	[sflag:s9] =	ssyncadd.s32 $0xFFFFB1E0  }
0x2f1: {  	[spmem:s1] =	stream.indirect.scatter.add.f32 [tilespmem:s8], [sflag:$0x3], $0x1, s6, s7, $0xb8;
	[tilespmem:$0x1B960] =	vst v63  }
0x2f2: {  	_ =	swait.ge [sflag:s9], $0x4E20  }
0x2f3: {  	[sflag:s9] =	ssyncset.done $0x0  }
0x2f4: {  	s2 =	simm.s32 @!p0 $0x1;
	[sflag:s9] =	ssyncadd.s32 $0xFFFFB1E0  }
0x2f5: {  	s3 =	simm.s32 @!p0 $0x20;
	s1 =	simm.s32 @!p0 $0x10;
	[bflag:$0x0] =	sbarrier.arrive $0xFFFF  }
0x2f6: {  	[hbm:s5@s3], [sflag:s26] =	dma.strided @!p0 [spmem:s10@s1], $0x30E0, s2, $0x10   }
0x2f7: {  	_ =	swait.ge @!p0 [sflag:s0], $0x30E0  }
0x2f8: {  	[sflag:s0] =	ssyncset.done @!p0 $0x0  }
0x2f9: {  	[sflag:s0] =	ssyncadd.s32 @!p0 $0xFFFFCF20  }
0x2fa: {  	_ =	sfence.sel $0x180000  }
0x2fb: {  	[bflag:$0x0] =	sbarrier.arrive $0xFFFF  }
0x2fc: {  	_ =	strace $0x9000004A  }
0x2fd: {  	s0 =	sadd.s32 @!p0 $0x100000, s29;
	[bflag:$0x2] =	sbarrier.arrive $0xFFFF  }
0x2fe: {  	[sflag:s0] =	ssyncadd.tile.s32 @!p0 $0x1;
	_ =	shalt  }
.LBB2_1:
.Ltmp3:
0x2ff: {  	(pc) =	sbr.rel .LBB2_6-.Ltmp3, $2  }
0x300: {  	_ =	sdelay $0x2  }
0x301: {  	_ = 	snop  }
.LBB2_3:
.Ltmp4:
0x302: {  	(pc) =	sbr.rel .LBB2_6-.Ltmp4, $2  }
0x303: {  	_ =	sdelay $0x2  }
0x304: {  	s29 =	rddreg [dreg:$0x4]  }
.Lfunc_end2:
_tile_overlayer_lowered:
.L_overlay_start_2:
0x305: {  	(tag) =	ssettag $0x2  }
0x306: {  	s0 =	rddreg [dreg:$0x0];
	s2 =	stileid.u32  }
0x307: {  	s1 =	rddreg [dreg:$0x1];
	p0 =	sne.s32 s2, $0x0  }
0x308: {  	s3 =	rddreg [dreg:$0x2];
	[bflag:$0x3] =	sbarrier.arrive $0xFFFF;
	s2 =	simm.s32 @!p0 $0x1C04  }
0x309: {  	[timem:s3], [sflag:s2] =	dma.local @!p0 [hbm:s0], s1  }
0x30a: {  	s0 =	simm.s32 @!p0 $0x4  }
0x30b: {  	_ =	swait.ge @!p0 [sflag:s0], s1  }
0x30c: {  	s1 =	ssub.s32 @!p0 $0x0, s1;
	[sflag:s0] =	ssyncset.done @!p0 $0x0  }
0x30d: {  	[sflag:s0] =	ssyncadd.s32 @!p0 s1  }
0x30e: {  	[bflag:$0x3] =	sbarrier.arrive $0xFFFF  }
0x30f: {  	_ =	shalt  }

// kernel: sparse-core-data-format-call.cloned.1.call-start
scs
called_computation_lowered:
.L_overlay_start_0:
0x0: {  	s2 =	sld [smem:$0x3FD9]  }
0x1: {  	s3 =	sld [smem:$0x3FFE];
	_ =	sdelay $0x1  }
0x2: {  	s1 =	srdreg.scid  }
0x3: {  	s0 =	sand.u32 $0x1, s1  }
0x4: {  	s18 =	sshll.u32 s0, $0xA;
	s2 =	sadd.s32 s3, s2  }
0x5: {  	s2 =	sadd.s32 s2, s18  }
0x6: {  	[smem:$0x3FC5] =	sst s2  }
0x7: {  	_ = 	snop  }
0x8: {  	s2 =	sld [smem:$0x3FC7];
	(tm) =	ssettm $0x1  }
0x9: {  	s19 =	sld [smem:$0x3FFB];
	_ =	sdelay $0x3  }
0xa: {  	_ =	strace s19  }
0xb: {  	s3 =	sld [smem:$0x3FFC];
	_ =	sdelay $0x3  }
0xc: {  	_ =	strace s3  }
0xd: {  	s3 =	sld [smem:$0x3FFD];
	_ =	sdelay $0x3  }
0xe: {  	_ =	strace s3  }
0xf: {  	_ =	strace $0x8FFFFFFF  }
0x10: {  	s20 =	sld [smem:$0x3FDB];
	_ =	sdelay $0x1  }
0x11: {  	s4 =	simm.s32 $_scs_section_size  }
0x12: {  	s5 =	simm.s32 $_size__tile_overlayer_lowered;
	s6 =	simm.s32 $_tile_overlayer_lowered  }
0x13: {  	s23 =	simm.s32 $0x1BFF;
	s22 =	sshll.u32 s6, $0x1;
	s3 =	sadd.s32 s4, s20  }
0x14: {  	s7 =	simm.s32 $0x0;
	s21 =	sshll.u32 s5, $0x1;
	s5 =	sadd.s32 s22, s3  }
0x15: {  	[timem:s7], [sflag:s23] =	dma.local [hbm:s5], s21  }
0x16: {  	_ =	swait.ge [sflag:s23], s21  }
0x17: {  	s4 =	ssub.s32 $0x0, s21;
	[sflag:s23] =	ssyncset.done $0x0  }
0x18: {  	[sflag:s23] =	ssyncadd.s32 s4;
	_ =	sdelay $0x1  }
0x19: {  	s24 =	simm.s32 $0x1B8B  }
0x1a: {  	_ =	swait.ge [sflag:s24], $0x1  }
0x1b: {  	[sflag:s24] =	ssyncset.done $0x0  }
0x1c: {  	s26 =	simm.s32 $0x1B8E;
	s25 =	sld [smem:$0x3FFE];
	[sflag:s24] =	ssyncadd.s32 $0xFFFFFFFF  }
0x1d: {  	s27 =	simm.s32 $execute0_lowered;
	[smem:$0x3FD2] =	sst s26  }
0x1e: {  	s5 =	sshll.u32 s27, $0x1;
	_ =	strace $0x80000046;
	[dreg:$0x1] =	wrdreg $0xFFFFFFFF  }
0x1f: {  	s28 =	simm.s32 $_size_execute0_lowered;
	s3 =	sadd.s32 s3, s5;
	[dreg:$0x0] =	wrdreg $0x0  }
0x20: {  	s5 =	sshll.u32 s28, $0x1;
	[dreg:$0x2] =	wrdreg s3  }
0x21: {  	[dreg:$0x3] =	wrdreg s5  }
0x22: {  	[dreg:$0x4] =	wrdreg $0xC0  }
0x23: {  	_ =	task [dreg:s7], $0x5FFFF  }
0x24: {  	[dreg:$0x1] =	wrdreg $0xFFFFFFFF  }
0x25: {  	[dreg:$0x0] =	wrdreg $0x60  }
0x26: {  	[dreg:$0x2] =	wrdreg s2  }
0x27: {  	[dreg:$0x3] =	wrdreg s25  }
0x28: {  	[dreg:$0x4] =	wrdreg $0x9  }
0x29: {  	_ =	task.clear_ibuf [dreg:s7], $0x5FFFF;
	_ =	strace $0x90000046  }
0x2a: {  	s29 =	simm.s32 $0x9;
	_ =	strace $0x80000048  }
0x2b: {  	_ =	swait.ge [sflag:s29], $0x1  }
0x2c: {  	[sflag:s29] =	ssyncadd.s32 $0xFFFFFFFF  }
0x2d: {  	_ =	strace $0x90000048  }
0x2e: {  	_ =	sfence  }
0x2f: {  	s30 =	sld [smem:$0x0];
	_ =	sdelay $0x2  }
0x30: {  	s31 =	sshll.u32 s1, $0xD;
	s1 =	sshrl.u32 s1, $0x2  }
0x31: {  	s3 =	sand.u32 $0x4000, s31;
	s1 =	sadd.s32 s1, s30  }
0x32: {  	s0 =	sor.u32 s3, s0;
	s1 =	sshll.u32 s1, $0x11  }
0x33: {  	s0 =	sor.u32 s1, s0  }
0x34: {  	s0 =	sadd.s32 $0x8F2B, s0  }
0x35: {  	[sflag:s0] =	ssyncadd.remote.s32 $0x1  }
0x36: {  	_ =	sfence.sel $0xFFFF  }
0x37: {  	[dreg:$0x0] =	wrdreg $0xFFFFFFFF;
	(pc) =	sbr.abs _section_cstart, $3  }
0x38: {  	[dreg:$0x1] =	wrdreg $0xFFFFFFFF  }
0x39: {  	_ =	task.clear_ibuf [dreg:s7], $0x2FFFF;
	_ =	strace $0x9FFFFFFF  }
0x3a: {  	(tm) =	ssettm $0x7FFFFFFF  }
0x3b: {  	_ =	shalt  }
tec
execute0_lowered:
.L_overlay_start_1:
0x0: {  	(tag) =	ssettag $0x1  }
0x1: {  	s0 =	stileid.u32;
	s7 =	rddreg [dreg:$0x0]  }
0x2: {  	s1 =	srdreg.scid;
	s4 =	rddreg [dreg:$0x1]  }
0x3: {  	s30 =	simm.s32 $0x2;
	s10 =	simm.s32 $0x0;
	s14 =	simm.s32 $0x0  }
0x4: {  	s15 =	simm.s32 $0x0;
	s11 =	simm.s32 $0x0;
	s13 =	simm.s32 $0x0  }
0x5: {  	s2 =	sand.u32 $0x1, s1;
	s3 =	sshll.u32 s0, $0x7;
	s1 =	rddreg [dreg:$0x2]  }
0x6: {  	_ =	strace $0x80000047;
	s5 =	ssub.s32 $0xC300, s3;
	s6 =	ssub.s32 $0x2, s2  }
.Ltmp0:
0x7: {  	s5 =	sshrl.u32 s5, $0xB;
	s8 =	sshrl.u32 s6, $0x1;
	(pc) =	sbr.rel .LBB1_1-.Ltmp0, $4  }
0x8: {  	s4 =	sadd.s32 $0xA00, s4;
	s9 =	sadd.s32 $0x1, s5;
	s6 =	ssub.s32 s6, s8  }
0x9: {  	s31 =	sshll.u32 s2, $0x4;
	s5 =	simm.s32 $0x1;
	s6 =	smul.u32 s9, s6  }
0xa: {  	s12 =	smov.u32 s3;
	s7 =	sadd.s32 s7, s31;
	[sflag:s5] =	ssyncpa.u1 $0x0  }
0xb: {  	s9 =	simm.s32 $0x0;
	[sflag:s30] =	ssyncpa.u1 $0x0;
	s8 =	sadd.s32 $0x1, s6  }
.LBB1_4:
0xc: {  	s21 =	simm.s32 $0x0  }
.LBB1_8:
0xd: {  	_ =	sdelay $0x3  }
0xe: {  	v6 =	vld [tilespmem:s18+$0xFFFFFFC0];
	[tilespmem:v0+s20+$0x30 ss:$0x1] =	vst.idx.msk @p0 $0xffff, v2  }
0xf: {  	v58 =	vld [tilespmem:s18+$0xFFFFFFD0];
	[tilespmem:v0+s20+$0x40 ss:$0x1] =	vst.idx.msk @p0 $0xffff, v3;
	s21 =	sadd.s32 @p0 $0x80, s21  }
0x10: {  	v59 =	vld [tilespmem:s18+$0xFFFFFFE0];
	[tilespmem:v0+s20+$0x50 ss:$0x1] =	vst.idx.msk @p0 $0xffff, v5;
	s19 =	smov.u32 @p0 s21  }
0x11: {  	v60 =	vld [tilespmem:s18+$0xFFFFFFF0];
	[tilespmem:v0+s20+$0x60 ss:$0x1] =	vst.idx.msk @p0 $0xffff, v4;
	s19 =	sand.u32 $0x3F80, s19  }
0x12: {  	v61 =	vld [tilespmem:s18+$0x0];
	[tilespmem:v0+s19+$0x70 ss:$0x1] =	vst.idx.msk $0xffff, v1  }
0x13: {  	v62 =	vld [tilespmem:s18+$0x10];
	[tilespmem:v0+s19+$0x0 ss:$0x1] =	vst.idx.msk $0xffff, v6  }
0x14: {  	v63 =	vld [tilespmem:s18+$0x20];
	[tilespmem:v0+s19+$0x10 ss:$0x1] =	vst.idx.msk $0xffff, v58  }
0x15: {  	[tilespmem:v0+s19+$0x20 ss:$0x1] =	vst.idx.msk $0xffff, v59  }
0x16: {  	[tilespmem:v0+s19+$0x30 ss:$0x1] =	vst.idx.msk $0xffff, v60  }
0x17: {  	[tilespmem:v0+s19+$0x40 ss:$0x1] =	vst.idx.msk $0xffff, v61  }
0x18: {  	[tilespmem:v0+s19+$0x50 ss:$0x1] =	vst.idx.msk $0xffff, v62  }
0x19: {  	[tilespmem:v0+s19+$0x60 ss:$0x1] =	vst.idx.msk $0xffff, v63  }
.LBB1_9:
0x1a: {  	s18 =	sand.u32 $0x1FFFFFF, s11  }
0x1b: {  	s19 =	smulhi.u32 $0x14F8B59, s18;
	_ =	sdelay $0x1  }
0x1c: {  	s19 =	sshrl.u32 s19, $0x8  }
0x1d: {  	s19 =	smul.u32 $0xC350, s19  }
0x1e: {  	s15 =	smul.u32 $0xC3500, s15  }
0x1f: {  	s18 =	ssub.s32 s18, s19  }
0x20: {  	s15 =	sadd.s32 s4, s15;
	s18 =	sshll.u32 s18, $0x4  }
0x21: {  	s15 =	sadd.s32 s18, s15  }
0x22: {  	[hbm4b:s15+s9] =	stream.linear.scatter [tilespmem:s17], [sflag:$0x2], s16, $0x38;
	[tilespmem:$0x10000] =	vst v63  }
.LBB1_10:
0x23: {  	p0 =	slt.u32 s13, $0x2  }
0x24: {  	p1 =	sgt.s32 @!p0 s14, $0xC2D0  }
0x25: {  	s15 =	smov.u32 s14;
	s16 =	sshra.s32 @!p0 s14, $0x1F;
	p1 =	por !p1, p0  }
0x26: {  	s14 =	sand.u32 @!p0 s16, s14;
	s15 =	simm.s32 @p1 $0xC2D0  }
0x27: {  	s14 =	ssub.s32 @!p0 s15, s14  }
0x28: {  	s14 =	sadd.s32 @!p0 $0xFFFF3D30, s14  }
0x29: {  	s15 =	sshll.u32 @!p0 s14, $0x7  }
0x2a: {  	p1 =	sgt.s32 @!p0 s14, $0x7F;
	s14 =	ssub.s32 @!p0 $0x4000, s15  }
0x2b: {  	s16 =	sadd.s32 $0x800, s12;
	p1 =	por !p1, p0;
	s14 =	sand.u32 @!p0 $0x3FFFFF80, s14  }
0x2c: {  	s14 =	simm.s32 @!p1 $0x0;
	p1 =	sgt.s32 s16, $0xC34F  }
0x2d: {  	s16 =	smov.u32 @p1 s3;
	p1 =	sne.s32 s13, s8  }
.Ltmp1:
0x2e: {  	_ = 	snop;
	(pc) =	sbr.rel @!p1 .LBB1_11-.Ltmp1, $4  }
0x2f: {  	s10 =	sadd.s32 $0x4000, s10;
	s15 =	simm.s32 @!p0 $0x2  }
0x30: {  	_ =	swait.ge @!p0 [sflag:s15], s14;
	s17 =	ssub.s32 @!p0 $0x0, s14;
	s14 =	smov.u32 s11  }
0x31: {  	s13 =	sadd.s32 $0x1, s13;
	s11 =	smov.u32 s12;
	[sflag:s15] =	ssyncset.done @!p0 $0x0  }
0x32: {  	s12 =	smov.u32 s16;
	[sflag:s15] =	ssyncadd.s32 @!p0 s17;
	s15 =	smov.u32 s2  }
.LBB1_1:
0x33: {  	p0 =	sge.u32 s13, s6  }
0x34: {  	p1 =	sgt.s32 @!p0 s12, $0xC2D0  }
0x35: {  	s16 =	smov.u32 s12;
	s17 =	sshra.s32 @!p0 s12, $0x1F;
	p1 =	por !p1, p0  }
0x36: {  	s17 =	sand.u32 @!p0 s17, s12;
	s16 =	simm.s32 @p1 $0xC2D0  }
0x37: {  	s16 =	ssub.s32 @!p0 s16, s17  }
0x38: {  	s31 =	sadd.s32 $0xFFFFFFFF, s13;
	s18 =	sxor.u32 @!p0 $0xFFFFFFFF, s13;
	s16 =	sadd.s32 @!p0 $0xFFFF3D30, s16  }
0x39: {  	s19 =	simm.s32 @!p0 $0x80;
	s20 =	simm.s32 @!p0 $0x100;
	s17 =	sshll.u32 @!p0 s16, $0x7  }
0x3a: {  	p1 =	sgt.s32 @!p0 s16, $0x7F;
	s16 =	ssub.s32 @!p0 $0x4000, s17;
	s17 =	sshll.u32 @!p0 s18, $0xE  }
0x3b: {  	p1 =	por !p1, p0;
	s18 =	sshll.u32 @!p0 s12, $0x5;
	s16 =	sand.u32 @!p0 $0x3FFFFF80, s16  }
0x3c: {  	s17 =	sand.u32 @!p0 $0x4000, s17;
	s18 =	sadd.s32 @!p0 s18, s7;
	s16 =	simm.s32 @!p1 $0x0  }
0x3d: {  	[tilespmem:s17], [sflag:$0x1] =	stream.strided.gather @!p0 [hbm4b:s18+s19], s16, s20, s19, $0x38;
	[tilespmem:$0x10000] =	vst v63  }
0x3e: {  	p0 =	sge.u32 s31, s6  }
.Ltmp2:
0x3f: {  	_ = 	snop;
	(pc) =	sbr.rel @p0 .LBB1_10-.Ltmp2, $1  }
0x40: {  	_ =	sdelay $0x3  }
0x41: {  	p0 =	sgt.s32 s11, $0xC2D0;
	s16 =	smov.u32 s11;
	s17 =	sshra.s32 s11, $0x1F  }
0x42: {  	s16 =	simm.s32 @!p0 $0xC2D0;
	s17 =	sand.u32 s17, s11  }
0x43: {  	s16 =	ssub.s32 s16, s17  }
0x44: {  	s16 =	sadd.s32 $0xFFFF3D30, s16  }
0x45: {  	s30 =	sshll.u32 s16, $0x7  }
0x46: {  	s17 =	ssub.s32 $0x4000, s30  }
0x47: {  	p0 =	sgt.s32 s16, $0x7F;
	s16 =	sand.u32 $0x3FFFFF80, s17;
	s17 =	sadd.s32 $0x80, s11  }
0x48: {  	s16 =	simm.s32 @p0 $0x0;
	p0 =	slt.s32 s17, $0xC350  }
0x49: {  	s17 =	simm.s32 @!p0 $0xC350  }
0x4a: {  	s20 =	ssub.s32 s17, s11  }
0x4b: {  	p0 =	slt.s32 s20, $0x1  }
.Ltmp3:
0x4c: {  	_ = 	snop;
	(pc) =	sbr.rel @p0 .LBB1_9-.Ltmp3, $4  }
0x4d: {  	_ = 	snop  }
0x4e: {  	s19 =	sshll.u32 s13, $0xE;
	_ =	swait.ge [sflag:s5], s16  }
0x4f: {  	s31 =	sand.u32 $0x4000, s19;
	s18 =	ssub.s32 $0x0, s16;
	[sflag:s5] =	ssyncset.done $0x0  }
0x50: {  	s17 =	sor.u32 $0x8000, s31;
	[sflag:s5] =	ssyncadd.s32 s18  }
0x51: {  	p1 =	sne.s32 s20, $0x1  }
.Ltmp4:
0x52: {  	v0 =	vmov s17;
	(pc) =	sbr.rel @!p1 .LBB1_4-.Ltmp4, $4  }
0x53: {  	_ = 	snop  }
0x54: {  	s18 =	sand.u32 $0x4000, s10  }
0x55: {  	s18 =	sor.u32 $0x40, s18  }
0x56: {  	s19 =	simm.s32 $0x0;
	s21 =	sadd.s32 $0xFFFFFFFF, s20;
	p0 =	por $0x0, $0x0;
	v1 =	vld [tilespmem:s18+$0x30]  }
0x57: {  	v4 =	vld [tilespmem:s18+$0xFFFFFFC0]  }
0x58: {  	v6 =	vld [tilespmem:s18+$0xFFFFFFD0]  }
0x59: {  	v7 =	vld [tilespmem:s18+$0xFFFFFFE0];
	p1 =	sne.s32 s21, $0x1  }
.Ltmp5:
0x5a: {  	v2 =	vld [tilespmem:s18+$0xFFFFFFF0];
	s20 =	sand.u32 $0x3F80, s19;
	(pc) =	sbr.rel @!p1 .LBB1_6-.Ltmp5, $4  }
0x5b: {  	v3 =	vld [tilespmem:s18+$0x0];
	[tilespmem:v0+s20+$0x70 ss:$0x1] =	vst.idx.msk $0xffff, v1  }
0x5c: {  	v5 =	vld [tilespmem:s18+$0x10];
	[tilespmem:v0+s20+$0x0 ss:$0x1] =	vst.idx.msk $0xffff, v4  }
0x5d: {  	v4 =	vld [tilespmem:s18+$0x20];
	[tilespmem:v0+s20+$0x10 ss:$0x1] =	vst.idx.msk $0xffff, v6;
	s18 =	sadd.s32 $0x80, s18  }
0x5e: {  	s22 =	sadd.s32 $0xFFFFFFFF, s21;
	p0 =	por $0x1, $0x1;
	s21 =	simm.s32 $0x0;
	[tilespmem:v0+s20+$0x20 ss:$0x1] =	vst.idx.msk $0xffff, v7;
	v1 =	vld [tilespmem:s18+$0x30]  }
.LBB1_7:
0x5f: {  	p1 =	sne.s32 s22, $0x1;
	v6 =	vld [tilespmem:s18+$0xFFFFFFC0];
	[tilespmem:v0+s20+$0x30 ss:$0x1] =	vst.idx.msk $0xffff, v2  }
0x60: {  	v7 =	vld [tilespmem:s18+$0xFFFFFFD0];
	[tilespmem:v0+s20+$0x40 ss:$0x1] =	vst.idx.msk $0xffff, v3  }
0x61: {  	s21 =	sadd.s32 $0x80, s21;
	v8 =	vld [tilespmem:s18+$0xFFFFFFE0];
	[tilespmem:v0+s20+$0x50 ss:$0x1] =	vst.idx.msk $0xffff, v5  }
.Ltmp6:
0x62: {  	v2 =	vld [tilespmem:s18+$0xFFFFFFF0];
	[tilespmem:v0+s20+$0x60 ss:$0x1] =	vst.idx.msk $0xffff, v4;
	s20 =	sand.u32 $0x3F80, s21;
	(pc) =	sbr.rel @p1 .LBB1_7-.Ltmp6, $4  }
0x63: {  	v3 =	vld [tilespmem:s18+$0x0];
	[tilespmem:v0+s20+$0x70 ss:$0x1] =	vst.idx.msk $0xffff, v1  }
0x64: {  	[tilespmem:v0+s20+$0x0 ss:$0x1] =	vst.idx.msk $0xffff, v6;
	v5 =	vld [tilespmem:s18+$0x10]  }
0x65: {  	[tilespmem:v0+s20+$0x10 ss:$0x1] =	vst.idx.msk $0xffff, v7;
	v4 =	vld [tilespmem:s18+$0x20];
	s18 =	sadd.s32 $0x80, s18  }
0x66: {  	s22 =	sadd.s32 $0xFFFFFFFF, s22;
	v1 =	vld [tilespmem:s18+$0x30];
	[tilespmem:v0+s20+$0x20 ss:$0x1] =	vst.idx.msk $0xffff, v8  }
.Ltmp7:
0x67: {  	_ = 	snop;
	(pc) =	sbr.rel .LBB1_8-.Ltmp7, $1  }
0x68: {  	_ =	sdelay $0x3  }
.LBB1_6:
.Ltmp8:
0x69: {  	(pc) =	sbr.rel .LBB1_8-.Ltmp8, $2  }
0x6a: {  	_ =	sdelay $0x2  }
0x6b: {  	s21 =	simm.s32 $0x0  }
.LBB1_11:
0x6c: {  	_ =	sfence.sel $0x180000  }
0x6d: {  	s2 =	simm.s32 $0x1;
	[bflag:$0x0] =	sbarrier.arrive $0xFFFF  }
0x6e: {  	s31 =	simm.s32 $0x2;
	[sflag:s2] =	ssyncpa.u1 $0x1  }
0x6f: {  	[sflag:s31] =	ssyncpa.u1 $0x1  }
0x70: {  	p0 =	sne.s32 s0, $0x0;
	_ =	strace $0x90000047  }
0x71: {  	s0 =	sadd.s32 @!p0 $0x100000, s1;
	[bflag:$0x2] =	sbarrier.arrive $0xFFFF  }
0x72: {  	[sflag:s0] =	ssyncadd.tile.s32 @!p0 $0x1;
	_ =	shalt  }
.Lfunc_end1:
_tile_overlayer_lowered:
.L_overlay_start_2:
0x73: {  	(tag) =	ssettag $0x2  }
0x74: {  	s0 =	rddreg [dreg:$0x0];
	s2 =	stileid.u32  }
0x75: {  	s1 =	rddreg [dreg:$0x1];
	p0 =	sne.s32 s2, $0x0  }
0x76: {  	s3 =	rddreg [dreg:$0x2];
	[bflag:$0x3] =	sbarrier.arrive $0xFFFF;
	s2 =	simm.s32 @!p0 $0x1C01  }
0x77: {  	[timem:s3], [sflag:s2] =	dma.local @!p0 [hbm:s0], s1  }
0x78: {  	s0 =	simm.s32 @!p0 $0x1  }
0x79: {  	_ =	swait.ge @!p0 [sflag:s0], s1  }
0x7a: {  	s1 =	ssub.s32 @!p0 $0x0, s1;
	[sflag:s0] =	ssyncset.done @!p0 $0x0  }
0x7b: {  	[sflag:s0] =	ssyncadd.s32 @!p0 s1  }
0x7c: {  	[bflag:$0x3] =	sbarrier.arrive $0xFFFF  }
0x7d: {  	_ =	shalt  }

</sc_bundles>
